<compile_context>
chip_gen: v7x
topology: tpu7x:2x2x1
jax: 0.10.2.dev20260603
libtpu: 0.0.44.dev20260713+nightly
codegen_flags: <defaults>
</compile_context>

<pallas_src>
import functools

import jax
import jax.numpy as jnp
from jax import lax
from jax.experimental import pallas as pl
from jax.experimental.pallas import tpu as pltpu
from jax.experimental.pallas import tpu_sc as plsc

B = 4096
DENSE = 8
N_SPARSE = 10
SPARSE_VOCAB = 100000
SEQ_VOCAB = 1000000
D = 32
MAXLEN = 50
M_ITEMS = 100

NC = 2
NS = 16
NW = NC * NS

SEQ_ROWS = B * MAXLEN
SEQ_PER_W = SEQ_ROWS // NW
SEQ_CHUNK = 1600
SPARSE_ROWS = B * N_SPARSE
SPARSE_PER_W = SPARSE_ROWS // NW
ITEM_PAD = 128
LINES = 4

QS_SEQ = 262144
QS_SP = 32768
TBLK = 16384
SEQ_LASTB = (SEQ_VOCAB + TBLK - 1) // TBLK - 1
SP_LASTB = (SPARSE_VOCAB + TBLK - 1) // TBLK - 1

GQ = 4
BL = B // GQ


def _transpose_seq_body(t0, t1, t2, t3, out_ref):
    x = jnp.concatenate([t0[...], t1[...], t2[...], t3[...]], axis=0)
    out_ref[...] = jnp.transpose(x)


_transpose_seq = pl.pallas_call(
    _transpose_seq_body,
    grid=(QS_SEQ // TBLK,),
    in_specs=[
        pl.BlockSpec(
            (D, TBLK),
            lambda i, q=q: (0, jnp.minimum(i + q * (QS_SEQ // TBLK),
                                           SEQ_LASTB)))
        for q in range(LINES)
    ],
    out_specs=pl.BlockSpec((TBLK, 128), lambda i: (i, 0)),
    out_shape=jax.ShapeDtypeStruct((QS_SEQ, 128), jnp.float32),
)


def _transpose_sp_body(t0, t1, t2, t3, out_ref):
    x = jnp.concatenate([t0[...], t1[...], t2[...], t3[...]], axis=0)
    out_ref[...] = jnp.transpose(x)


_transpose_sp = pl.pallas_call(
    _transpose_sp_body,
    grid=(N_SPARSE, QS_SP // TBLK),
    in_specs=[
        pl.BlockSpec(
            (D, TBLK),
            lambda i, j, q=q: (i, jnp.minimum(j + q * (QS_SP // TBLK),
                                              SP_LASTB)))
        for q in range(LINES)
    ],
    out_specs=pl.BlockSpec((TBLK, 128),
                           lambda i, j: (i * (QS_SP // TBLK) + j, 0)),
    out_shape=jax.ShapeDtypeStruct((N_SPARSE * QS_SP, 128), jnp.float32),
)


def _sc_gather_body(seq_idx, sparse_idx, item_idx, table_seq, table_sparse,
                    seq_out, sparse_out, item_out,
                    idx_v, rows_v, sidx_v, srows_v, iidx_v, irows_v, sem):
    wid = lax.axis_index("s") * NC + lax.axis_index("c")
    base = wid * SEQ_PER_W
    for ci in range(SEQ_PER_W // SEQ_CHUNK):
        off = base + ci * SEQ_CHUNK
        pltpu.sync_copy(seq_idx.at[pl.ds(off, SEQ_CHUNK)], idx_v)
        pltpu.async_copy(table_seq.at[idx_v], rows_v, sem).wait()
        pltpu.sync_copy(rows_v, seq_out.at[pl.ds(off, SEQ_CHUNK)])
    sbase = wid * SPARSE_PER_W
    pltpu.sync_copy(sparse_idx.at[pl.ds(sbase, SPARSE_PER_W)], sidx_v)
    pltpu.async_copy(table_sparse.at[sidx_v], srows_v, sem).wait()
    pltpu.sync_copy(srows_v, sparse_out.at[pl.ds(sbase, SPARSE_PER_W)])
    @pl.when(wid == 0)
    def _():
        pltpu.sync_copy(item_idx.at[pl.ds(0, ITEM_PAD)], iidx_v)
        pltpu.async_copy(table_seq.at[iidx_v], irows_v, sem).wait()
        pltpu.sync_copy(irows_v, item_out.at[pl.ds(0, ITEM_PAD)])


@functools.lru_cache(maxsize=1)
def _get_sc_gather():
  return pl.kernel(
    _sc_gather_body,
    mesh=plsc.VectorSubcoreMesh(core_axis_name="c", subcore_axis_name="s"),
    out_type=[
        jax.ShapeDtypeStruct((SEQ_ROWS, D), jnp.float32),
        jax.ShapeDtypeStruct((SPARSE_ROWS, D), jnp.float32),
        jax.ShapeDtypeStruct((ITEM_PAD, D), jnp.float32),
    ],
    scratch_types=[
        pltpu.VMEM((SEQ_CHUNK,), jnp.int32),
        pltpu.VMEM((SEQ_CHUNK, D), jnp.float32),
        pltpu.VMEM((SPARSE_PER_W,), jnp.int32),
        pltpu.VMEM((SPARSE_PER_W, D), jnp.float32),
        pltpu.VMEM((ITEM_PAD,), jnp.int32),
        pltpu.VMEM((ITEM_PAD, D), jnp.float32),
        pltpu.SemaphoreType.DMA,
    ],
    compiler_params=pltpu.CompilerParams(use_tc_tiling_on_sc=False),
  )


BB = 256
GB = BB // GQ
G = B // BB

IW1, IW2, IW3, IF1M, IF2M, IF1S, IF2S = 0, 1, 2, 3, 4, 5, 15


def _tc_dense_body(seq_ref, dense_ref, sparse_ref, item_ref, sel_ref,
                   wpk_ref, wd_ref, wb_ref, out_ref):
    ri = lax.broadcasted_iota(jnp.int32, (128, 128), 0) // D
    ci = lax.broadcasted_iota(jnp.int32, (128, 128), 1) // D
    gones = (ri == ci).astype(jnp.float32)

    S = seq_ref[...]
    m_s = jnp.mean(S, axis=0)
    m_t = S[MAXLEN - 1]
    c = m_s @ wpk_ref[IW2] + m_t @ wpk_ref[IW3] + wb_ref[1:2]
    S2 = S.reshape(MAXLEN * GB, 128)
    E = (S2 @ wpk_ref[IW1]).reshape(MAXLEN, GB, 128) + c[None, :, :]
    att = jax.nn.sigmoid(E)
    aw = att * wb_ref[0:1][None, :, :]
    alpha = (aw.reshape(MAXLEN * GB, 128) @ gones).reshape(MAXLEN, GB, 128)
    m_a = jnp.sum(alpha * S, axis=0)

    xd = dense_ref[...]
    acc1 = m_a @ wpk_ref[IF1M] + xd @ wd_ref[0] + wb_ref[2:3]
    acc2 = m_t @ wpk_ref[IF2M] + xd @ wd_ref[1] + wb_ref[3:4]
    for i in range(N_SPARSE):
        xi = sparse_ref[i]
        acc1 = acc1 + xi @ wpk_ref[IF1S + i]
        acc2 = acc2 + xi @ wpk_ref[IF2S + i]
    p4 = jnp.tanh(acc1) * jnp.tanh(acc2)

    p = sel_ref[0] @ p4[:, 0:D]
    for q in range(1, GQ):
        p = p + sel_ref[q] @ p4[:, q * D:(q + 1) * D]
    z = lax.dot_general(p, item_ref[...], (((1,), (1,)), ((), ())))
    z = z[:, :M_ITEMS]
    z = z - jnp.max(z, axis=-1, keepdims=True)
    ez = jnp.exp(z)
    out_ref[...] = ez / jnp.sum(ez, axis=-1, keepdims=True)


def _full_spec(shape):
    return pl.BlockSpec(shape, lambda i: tuple(0 for _ in shape))


_TC_IN_SPECS = [
        pl.BlockSpec((MAXLEN, GB, 128), lambda i: (0, i, 0)),
        pl.BlockSpec((GB, GQ * DENSE), lambda i: (i, 0)),
        pl.BlockSpec((N_SPARSE, GB, 128), lambda i: (0, i, 0)),
        _full_spec((ITEM_PAD, D)),
        _full_spec((GQ, BB, GB)),
        _full_spec((25, 128, 128)),
        _full_spec((2, GQ * DENSE, 128)),
        _full_spec((GQ, 128)),
]

_tc_dense = pl.pallas_call(
    _tc_dense_body,
    grid=(G,),
    in_specs=_TC_IN_SPECS,
    out_specs=pl.BlockSpec((BB, M_ITEMS), lambda i: (i, 0)),
    out_shape=jax.ShapeDtypeStruct((B, M_ITEMS), jnp.float32),
)


@jax.jit
def kernel(dense_inputs, sparse_inputs, seq_inputs, item_pooling, table_sparse,
           table_seq, W0, W1, W2, W3, b, ffn1_W, ffn1_b, ffn2_W, ffn2_b):
    tseqT = table_seq.T
    tspT = jnp.transpose(table_sparse, (0, 2, 1)).reshape(
        N_SPARSE * D, SPARSE_VOCAB)
    tseq_g = _transpose_seq(tseqT, tseqT, tseqT, tseqT).reshape(-1, D)
    tsp_g = _transpose_sp(tspT, tspT, tspT, tspT).reshape(-1, D)

    fseq = seq_inputs[:, 0, :].T
    fsp = sparse_inputs.T
    sp_base = (jnp.arange(N_SPARSE, dtype=jnp.int32) * QS_SP)[:, None]
    fit = jnp.concatenate(
        [item_pooling[:, 0], jnp.zeros((ITEM_PAD - M_ITEMS,), jnp.int32)])

    seq_flat, sparse_flat, item_embed = _get_sc_gather()(
        (LINES * (fseq % QS_SEQ) + fseq // QS_SEQ).reshape(-1),
        (LINES * (fsp % QS_SP + sp_base) + fsp // QS_SP).reshape(-1),
        LINES * (fit % QS_SEQ) + fit // QS_SEQ,
        tseq_g, tsp_g)

    seq_pk = seq_flat.reshape(MAXLEN, BL, 128)
    sparse_pk = sparse_flat.reshape(N_SPARSE, BL, 128)
    dense_pk = dense_inputs.reshape(BL, GQ * DENSE)

    wsm = jnp.concatenate([
        W1[None], W2[None], W3[None], ffn1_W[None, :D], ffn2_W[None, :D],
        ffn1_W[D + DENSE:].reshape(N_SPARSE, D, D),
        ffn2_W[D + DENSE:].reshape(N_SPARSE, D, D)])
    ri = jnp.arange(GQ * D)[:, None] // D
    ci = jnp.arange(GQ * D)[None, :] // D
    wpk = jnp.tile(wsm, (1, GQ, GQ)) * (ri == ci)[None]
    wdsm = jnp.stack([ffn1_W[D:D + DENSE], ffn2_W[D:D + DENSE]])
    rd = jnp.arange(GQ * DENSE)[:, None] // DENSE
    cd = jnp.arange(GQ * D)[None, :] // D
    wd = jnp.tile(wdsm, (1, GQ, GQ)) * (rd == cd)[None]
    wb = jnp.tile(jnp.stack([W0[:, 0], b, ffn1_b, ffn2_b]), (1, GQ))
    rows = jnp.arange(BB)
    cols = jnp.arange(GB)
    sel = jnp.stack([
        (rows[:, None] == cols[None, :] * GQ + q).astype(jnp.float32)
        for q in range(GQ)])

    return _tc_dense(seq_pk, dense_pk, sparse_pk, item_embed, sel,
                     wpk, wd, wb)

# --- scband reference (transcript-rebuilt; emitter-appended) ---
"""Pipeline reference for scband-stamp-40922448396846 (READ-ONLY COPY).

The authoritative reference and input builder live on the scoring server;
editing this copy changes nothing except your own understanding.
"""

import jax, jax.numpy as jnp
import numpy as np

B = 4096
DENSE = 8
N_SPARSE = 10
SPARSE_VOCAB = 100000
SEQ_VOCAB = 1000000
D = 32
MAXLEN = 50
M_ITEMS = 100
D_IN = D + DENSE + N_SPARSE * D


def setup_inputs(seed: int = 0) -> dict:
    key = jax.random.key(seed)
    ks = jax.random.split(key, 12)
    u = 0.05
    return {
        'dense_inputs': jax.random.normal(ks[0], (B, DENSE), dtype=jnp.float32),
        'sparse_inputs': jax.random.randint(ks[1], (B, N_SPARSE), 0, SPARSE_VOCAB, dtype=jnp.int32),
        'seq_inputs': jax.random.randint(ks[2], (B, 1, MAXLEN), 0, SEQ_VOCAB, dtype=jnp.int32),
        'item_pooling': jnp.arange(M_ITEMS, dtype=jnp.int32).reshape(M_ITEMS, 1),
        'table_sparse': jax.random.uniform(ks[3], (N_SPARSE, SPARSE_VOCAB, D), minval=-u, maxval=u, dtype=jnp.float32),
        'table_seq': jax.random.uniform(ks[4], (SEQ_VOCAB, D), minval=-u, maxval=u, dtype=jnp.float32),
        'W0': jax.random.normal(ks[5], (D, 1), dtype=jnp.float32) * 0.05,
        'W1': jax.random.normal(ks[6], (D, D), dtype=jnp.float32) * 0.05,
        'W2': jax.random.normal(ks[7], (D, D), dtype=jnp.float32) * 0.05,
        'W3': jax.random.normal(ks[8], (D, D), dtype=jnp.float32) * 0.05,
        'b': jnp.zeros((D,), dtype=jnp.float32),
        'ffn1_W': jax.random.normal(ks[9], (D_IN, D), dtype=jnp.float32) * 0.05,
        'ffn1_b': jnp.zeros((D,), dtype=jnp.float32),
        'ffn2_W': jax.random.normal(ks[10], (D_IN, D), dtype=jnp.float32) * 0.05,
        'ffn2_b': jnp.zeros((D,), dtype=jnp.float32),
    }


def reference(dense_inputs, sparse_inputs, seq_inputs, item_pooling, table_sparse, table_seq, W0, W1, W2, W3, b, ffn1_W, ffn1_b, ffn2_W, ffn2_b):
    # other sparse feature embedding lookups, concatenated with dense features
    x = dense_inputs
    for i in range(N_SPARSE):
        x = jnp.concatenate([x, table_sparse[i][sparse_inputs[:, i]]], axis=-1)
    # behavior sequence embedding (seq_len == 1 behavior feature -> only first loop branch runs)
    seq_embed = table_seq[seq_inputs[:, 0]]          # (B, MAXLEN, D)
    m_t = table_seq[seq_inputs[:, 0, -1]]            # (B, D) last clicked item
    item_pooling_embed = table_seq[item_pooling[:, 0]]  # (M_ITEMS, D)
    m_s = jnp.mean(seq_embed, axis=1)                # (B, D)
    # STAMP attention layer
    att = jax.nn.sigmoid(jnp.einsum('bld,de->ble', seq_embed, W1) + (m_s @ W2)[:, None, :] + (m_t @ W3)[:, None, :] + b)
    alpha = jnp.einsum('ble,eo->blo', att, W0)       # (B, MAXLEN, 1)
    m_a = jnp.sum(alpha * seq_embed, axis=1)         # (B, D)
    # concat with dense/other-sparse context
    m_a_c = jnp.concatenate([m_a, x], axis=-1)
    m_t_c = jnp.concatenate([m_t, x], axis=-1)
    h_s = jnp.tanh(m_a_c @ ffn1_W + ffn1_b)          # (B, D)
    h_t = jnp.tanh(m_t_c @ ffn2_W + ffn2_b)          # (B, D)
    z = jnp.squeeze(jnp.matmul(h_t[:, None, :] * item_pooling_embed[None, :, :], h_s[:, :, None]), axis=-1)  # (B, M_ITEMS)
    return jax.nn.softmax(z, axis=-1)

if __name__ == "__main__":
    import jax
    _d = setup_inputs()
    print(jax.jit(kernel)(*tuple(_d.values())))

</pallas_src>

<mosaic_0001>
#map = affine_map<(d0, d1) -> (0)>
#map1 = affine_map<(d0, d1) -> (0, 0)>
module attributes {stable_mosaic.version = 14 : i64} {
  func.func @_sc_gather_body(%arg0: i32, %arg1: i32, %arg2: memref<204800xi32, #tpu.memory_space<hbm>>, %arg3: memref<40960xi32, #tpu.memory_space<hbm>>, %arg4: memref<128xi32, #tpu.memory_space<hbm>>, %arg5: memref<1048576x32xf32, #tpu.memory_space<hbm>>, %arg6: memref<1310720x32xf32, #tpu.memory_space<hbm>>, %arg7: memref<204800x32xf32, #tpu.memory_space<hbm>>, %arg8: memref<40960x32xf32, #tpu.memory_space<hbm>>, %arg9: memref<128x32xf32, #tpu.memory_space<hbm>>, %arg10: memref<1600xi32, #tpu.memory_space<vmem>>, %arg11: memref<1600x32xf32, #tpu.memory_space<vmem>>, %arg12: memref<1280xi32, #tpu.memory_space<vmem>>, %arg13: memref<1280x32xf32, #tpu.memory_space<vmem>>, %arg14: memref<128xi32, #tpu.memory_space<vmem>>, %arg15: memref<128x32xf32, #tpu.memory_space<vmem>>, %arg16: memref<!tpu.dma_semaphore, #tpu.memory_space<semaphore_mem>>) attributes {dimension_semantics = [#tpu.dimension_semantics<core_parallel>, #tpu.dimension_semantics<subcore_parallel>], iteration_bounds = array<i64: 2, 16>, scalar_prefetch = 0 : i64, scratch_operands = 7 : i64, tpu.core_type = #tpu.core_type<sc_vector_subcore>, window_params = [{transform_indices = #map}, {transform_indices = #map}, {transform_indices = #map}, {transform_indices = #map1}, {transform_indices = #map1}, {transform_indices = #map1}, {transform_indices = #map1}, {transform_indices = #map1}]} {
    %mul3A = arith.constant 2 : i32
    %mul3A_0 = arith.muli %arg1, %mul3A : i32
    %add3A = arith.addi %mul3A_0, %arg0 : i32
    %mul3A_1 = arith.constant 6400 : i32
    %mul3A_2 = arith.muli %add3A, %mul3A_1 : i32
    %add3A_3 = arith.constant 0 : i32
    %add3A_4 = arith.addi %mul3A_2, %add3A_3 : i32
    "tpu.region"() ({
      %run_scoped3A = tpu.sem_alloc : memref<!tpu.dma_semaphore, #tpu.memory_space<semaphore_mem>>
      %dma_start3A_43 = tpu.memref_slice %arg2[%add3A_4] : memref<204800xi32, #tpu.memory_space<hbm>> -> memref<1600xi32, #tpu.memory_space<hbm>>
      %dma_start3A_44 = tpu.memref_slice %arg2[%add3A_4] : memref<204800xi32, #tpu.memory_space<hbm>> -> memref<1600xi32, #tpu.memory_space<hbm>>
      tpu.enqueue_dma source(%dma_start3A_44 : memref<1600xi32, #tpu.memory_space<hbm>>) target(%arg10 : memref<1600xi32, #tpu.memory_space<vmem>>) target_semaphore(%run_scoped3A : memref<!tpu.dma_semaphore, #tpu.memory_space<semaphore_mem>>)
      %dma_wait3A_45 = tpu.memref_slice %arg2[%add3A_4] : memref<204800xi32, #tpu.memory_space<hbm>> -> memref<1600xi32, #tpu.memory_space<hbm>>
      %dma_wait3A_46 = tpu.memref_slice %arg2[%add3A_4] : memref<204800xi32, #tpu.memory_space<hbm>> -> memref<1600xi32, #tpu.memory_space<hbm>>
      tpu.wait_dma2 semaphore(%run_scoped3A : memref<!tpu.dma_semaphore, #tpu.memory_space<semaphore_mem>>) src(%dma_wait3A_46 : memref<1600xi32, #tpu.memory_space<hbm>>) dst(%arg10 : memref<1600xi32, #tpu.memory_space<vmem>>)
      tpu.yield
    }) : () -> ()
    %dma_start3A = arith.constant 0 : i32
    %dma_start3A_5 = arith.constant 0 : i32
    %dma_start3A_6 = tpu.memref_slice %arg5[%dma_start3A, %dma_start3A_5] : memref<1048576x32xf32, #tpu.memory_space<hbm>> -> memref<1048576x32xf32, #tpu.memory_space<hbm>>
    tpu.enqueue_indirect_dma source(%dma_start3A_6 : memref<1048576x32xf32, #tpu.memory_space<hbm>>) target(%arg11 : memref<1600x32xf32, #tpu.memory_space<vmem>>) offsets(%arg10 : memref<1600xi32, #tpu.memory_space<vmem>>) semaphore(%arg16 : memref<!tpu.dma_semaphore, #tpu.memory_space<semaphore_mem>>)
    %dma_wait3A = arith.constant 0 : i32
    %dma_wait3A_7 = arith.constant 0 : i32
    %dma_wait3A_8 = tpu.memref_slice %arg5[%dma_wait3A, %dma_wait3A_7] : memref<1048576x32xf32, #tpu.memory_space<hbm>> -> memref<1048576x32xf32, #tpu.memory_space<hbm>>
    tpu.wait_indirect_dma semaphore(%arg16 : memref<!tpu.dma_semaphore, #tpu.memory_space<semaphore_mem>>) src(%dma_wait3A_8 : memref<1048576x32xf32, #tpu.memory_space<hbm>>) dst(%arg11 : memref<1600x32xf32, #tpu.memory_space<vmem>>)
    "tpu.region"() ({
      %run_scoped3A = tpu.sem_alloc : memref<!tpu.dma_semaphore, #tpu.memory_space<semaphore_mem>>
      %dma_start3A_43 = arith.constant 0 : i32
      %dma_start3A_44 = tpu.memref_slice %arg7[%add3A_4, %dma_start3A_43] : memref<204800x32xf32, #tpu.memory_space<hbm>> -> memref<1600x32xf32, #tpu.memory_space<hbm>>
      %dma_start3A_45 = arith.constant 0 : i32
      %dma_start3A_46 = tpu.memref_slice %arg7[%add3A_4, %dma_start3A_45] : memref<204800x32xf32, #tpu.memory_space<hbm>> -> memref<1600x32xf32, #tpu.memory_space<hbm>>
      tpu.enqueue_dma source(%arg11 : memref<1600x32xf32, #tpu.memory_space<vmem>>) target(%dma_start3A_46 : memref<1600x32xf32, #tpu.memory_space<hbm>>) target_semaphore(%run_scoped3A : memref<!tpu.dma_semaphore, #tpu.memory_space<semaphore_mem>>)
      %dma_wait3A_47 = arith.constant 0 : i32
      %dma_wait3A_48 = tpu.memref_slice %arg7[%add3A_4, %dma_wait3A_47] : memref<204800x32xf32, #tpu.memory_space<hbm>> -> memref<1600x32xf32, #tpu.memory_space<hbm>>
      %dma_wait3A_49 = arith.constant 0 : i32
      %dma_wait3A_50 = tpu.memref_slice %arg7[%add3A_4, %dma_wait3A_49] : memref<204800x32xf32, #tpu.memory_space<hbm>> -> memref<1600x32xf32, #tpu.memory_space<hbm>>
      tpu.wait_dma2 semaphore(%run_scoped3A : memref<!tpu.dma_semaphore, #tpu.memory_space<semaphore_mem>>) src(%arg11 : memref<1600x32xf32, #tpu.memory_space<vmem>>) dst(%dma_wait3A_50 : memref<1600x32xf32, #tpu.memory_space<hbm>>)
      tpu.yield
    }) : () -> ()
    %add3A_9 = arith.constant 1600 : i32
    %add3A_10 = arith.addi %mul3A_2, %add3A_9 : i32
    "tpu.region"() ({
      %run_scoped3A = tpu.sem_alloc : memref<!tpu.dma_semaphore, #tpu.memory_space<semaphore_mem>>
      %dma_start3A_43 = tpu.memref_slice %arg2[%add3A_10] : memref<204800xi32, #tpu.memory_space<hbm>> -> memref<1600xi32, #tpu.memory_space<hbm>>
      %dma_start3A_44 = tpu.memref_slice %arg2[%add3A_10] : memref<204800xi32, #tpu.memory_space<hbm>> -> memref<1600xi32, #tpu.memory_space<hbm>>
      tpu.enqueue_dma source(%dma_start3A_44 : memref<1600xi32, #tpu.memory_space<hbm>>) target(%arg10 : memref<1600xi32, #tpu.memory_space<vmem>>) target_semaphore(%run_scoped3A : memref<!tpu.dma_semaphore, #tpu.memory_space<semaphore_mem>>)
      %dma_wait3A_45 = tpu.memref_slice %arg2[%add3A_10] : memref<204800xi32, #tpu.memory_space<hbm>> -> memref<1600xi32, #tpu.memory_space<hbm>>
      %dma_wait3A_46 = tpu.memref_slice %arg2[%add3A_10] : memref<204800xi32, #tpu.memory_space<hbm>> -> memref<1600xi32, #tpu.memory_space<hbm>>
      tpu.wait_dma2 semaphore(%run_scoped3A : memref<!tpu.dma_semaphore, #tpu.memory_space<semaphore_mem>>) src(%dma_wait3A_46 : memref<1600xi32, #tpu.memory_space<hbm>>) dst(%arg10 : memref<1600xi32, #tpu.memory_space<vmem>>)
      tpu.yield
    }) : () -> ()
    %dma_start3A_11 = arith.constant 0 : i32
    %dma_start3A_12 = arith.constant 0 : i32
    %dma_start3A_13 = tpu.memref_slice %arg5[%dma_start3A_11, %dma_start3A_12] : memref<1048576x32xf32, #tpu.memory_space<hbm>> -> memref<1048576x32xf32, #tpu.memory_space<hbm>>
    tpu.enqueue_indirect_dma source(%dma_start3A_13 : memref<1048576x32xf32, #tpu.memory_space<hbm>>) target(%arg11 : memref<1600x32xf32, #tpu.memory_space<vmem>>) offsets(%arg10 : memref<1600xi32, #tpu.memory_space<vmem>>) semaphore(%arg16 : memref<!tpu.dma_semaphore, #tpu.memory_space<semaphore_mem>>)
    %dma_wait3A_14 = arith.constant 0 : i32
    %dma_wait3A_15 = arith.constant 0 : i32
    %dma_wait3A_16 = tpu.memref_slice %arg5[%dma_wait3A_14, %dma_wait3A_15] : memref<1048576x32xf32, #tpu.memory_space<hbm>> -> memref<1048576x32xf32, #tpu.memory_space<hbm>>
    tpu.wait_indirect_dma semaphore(%arg16 : memref<!tpu.dma_semaphore, #tpu.memory_space<semaphore_mem>>) src(%dma_wait3A_16 : memref<1048576x32xf32, #tpu.memory_space<hbm>>) dst(%arg11 : memref<1600x32xf32, #tpu.memory_space<vmem>>)
    "tpu.region"() ({
      %run_scoped3A = tpu.sem_alloc : memref<!tpu.dma_semaphore, #tpu.memory_space<semaphore_mem>>
      %dma_start3A_43 = arith.constant 0 : i32
      %dma_start3A_44 = tpu.memref_slice %arg7[%add3A_10, %dma_start3A_43] : memref<204800x32xf32, #tpu.memory_space<hbm>> -> memref<1600x32xf32, #tpu.memory_space<hbm>>
      %dma_start3A_45 = arith.constant 0 : i32
      %dma_start3A_46 = tpu.memref_slice %arg7[%add3A_10, %dma_start3A_45] : memref<204800x32xf32, #tpu.memory_space<hbm>> -> memref<1600x32xf32, #tpu.memory_space<hbm>>
      tpu.enqueue_dma source(%arg11 : memref<1600x32xf32, #tpu.memory_space<vmem>>) target(%dma_start3A_46 : memref<1600x32xf32, #tpu.memory_space<hbm>>) target_semaphore(%run_scoped3A : memref<!tpu.dma_semaphore, #tpu.memory_space<semaphore_mem>>)
      %dma_wait3A_47 = arith.constant 0 : i32
      %dma_wait3A_48 = tpu.memref_slice %arg7[%add3A_10, %dma_wait3A_47] : memref<204800x32xf32, #tpu.memory_space<hbm>> -> memref<1600x32xf32, #tpu.memory_space<hbm>>
      %dma_wait3A_49 = arith.constant 0 : i32
      %dma_wait3A_50 = tpu.memref_slice %arg7[%add3A_10, %dma_wait3A_49] : memref<204800x32xf32, #tpu.memory_space<hbm>> -> memref<1600x32xf32, #tpu.memory_space<hbm>>
      tpu.wait_dma2 semaphore(%run_scoped3A : memref<!tpu.dma_semaphore, #tpu.memory_space<semaphore_mem>>) src(%arg11 : memref<1600x32xf32, #tpu.memory_space<vmem>>) dst(%dma_wait3A_50 : memref<1600x32xf32, #tpu.memory_space<hbm>>)
      tpu.yield
    }) : () -> ()
    %add3A_17 = arith.constant 3200 : i32
    %add3A_18 = arith.addi %mul3A_2, %add3A_17 : i32
    "tpu.region"() ({
      %run_scoped3A = tpu.sem_alloc : memref<!tpu.dma_semaphore, #tpu.memory_space<semaphore_mem>>
      %dma_start3A_43 = tpu.memref_slice %arg2[%add3A_18] : memref<204800xi32, #tpu.memory_space<hbm>> -> memref<1600xi32, #tpu.memory_space<hbm>>
      %dma_start3A_44 = tpu.memref_slice %arg2[%add3A_18] : memref<204800xi32, #tpu.memory_space<hbm>> -> memref<1600xi32, #tpu.memory_space<hbm>>
      tpu.enqueue_dma source(%dma_start3A_44 : memref<1600xi32, #tpu.memory_space<hbm>>) target(%arg10 : memref<1600xi32, #tpu.memory_space<vmem>>) target_semaphore(%run_scoped3A : memref<!tpu.dma_semaphore, #tpu.memory_space<semaphore_mem>>)
      %dma_wait3A_45 = tpu.memref_slice %arg2[%add3A_18] : memref<204800xi32, #tpu.memory_space<hbm>> -> memref<1600xi32, #tpu.memory_space<hbm>>
      %dma_wait3A_46 = tpu.memref_slice %arg2[%add3A_18] : memref<204800xi32, #tpu.memory_space<hbm>> -> memref<1600xi32, #tpu.memory_space<hbm>>
      tpu.wait_dma2 semaphore(%run_scoped3A : memref<!tpu.dma_semaphore, #tpu.memory_space<semaphore_mem>>) src(%dma_wait3A_46 : memref<1600xi32, #tpu.memory_space<hbm>>) dst(%arg10 : memref<1600xi32, #tpu.memory_space<vmem>>)
      tpu.yield
    }) : () -> ()
    %dma_start3A_19 = arith.constant 0 : i32
    %dma_start3A_20 = arith.constant 0 : i32
    %dma_start3A_21 = tpu.memref_slice %arg5[%dma_start3A_19, %dma_start3A_20] : memref<1048576x32xf32, #tpu.memory_space<hbm>> -> memref<1048576x32xf32, #tpu.memory_space<hbm>>
    tpu.enqueue_indirect_dma source(%dma_start3A_21 : memref<1048576x32xf32, #tpu.memory_space<hbm>>) target(%arg11 : memref<1600x32xf32, #tpu.memory_space<vmem>>) offsets(%arg10 : memref<1600xi32, #tpu.memory_space<vmem>>) semaphore(%arg16 : memref<!tpu.dma_semaphore, #tpu.memory_space<semaphore_mem>>)
    %dma_wait3A_22 = arith.constant 0 : i32
    %dma_wait3A_23 = arith.constant 0 : i32
    %dma_wait3A_24 = tpu.memref_slice %arg5[%dma_wait3A_22, %dma_wait3A_23] : memref<1048576x32xf32, #tpu.memory_space<hbm>> -> memref<1048576x32xf32, #tpu.memory_space<hbm>>
    tpu.wait_indirect_dma semaphore(%arg16 : memref<!tpu.dma_semaphore, #tpu.memory_space<semaphore_mem>>) src(%dma_wait3A_24 : memref<1048576x32xf32, #tpu.memory_space<hbm>>) dst(%arg11 : memref<1600x32xf32, #tpu.memory_space<vmem>>)
    "tpu.region"() ({
      %run_scoped3A = tpu.sem_alloc : memref<!tpu.dma_semaphore, #tpu.memory_space<semaphore_mem>>
      %dma_start3A_43 = arith.constant 0 : i32
      %dma_start3A_44 = tpu.memref_slice %arg7[%add3A_18, %dma_start3A_43] : memref<204800x32xf32, #tpu.memory_space<hbm>> -> memref<1600x32xf32, #tpu.memory_space<hbm>>
      %dma_start3A_45 = arith.constant 0 : i32
      %dma_start3A_46 = tpu.memref_slice %arg7[%add3A_18, %dma_start3A_45] : memref<204800x32xf32, #tpu.memory_space<hbm>> -> memref<1600x32xf32, #tpu.memory_space<hbm>>
      tpu.enqueue_dma source(%arg11 : memref<1600x32xf32, #tpu.memory_space<vmem>>) target(%dma_start3A_46 : memref<1600x32xf32, #tpu.memory_space<hbm>>) target_semaphore(%run_scoped3A : memref<!tpu.dma_semaphore, #tpu.memory_space<semaphore_mem>>)
      %dma_wait3A_47 = arith.constant 0 : i32
      %dma_wait3A_48 = tpu.memref_slice %arg7[%add3A_18, %dma_wait3A_47] : memref<204800x32xf32, #tpu.memory_space<hbm>> -> memref<1600x32xf32, #tpu.memory_space<hbm>>
      %dma_wait3A_49 = arith.constant 0 : i32
      %dma_wait3A_50 = tpu.memref_slice %arg7[%add3A_18, %dma_wait3A_49] : memref<204800x32xf32, #tpu.memory_space<hbm>> -> memref<1600x32xf32, #tpu.memory_space<hbm>>
      tpu.wait_dma2 semaphore(%run_scoped3A : memref<!tpu.dma_semaphore, #tpu.memory_space<semaphore_mem>>) src(%arg11 : memref<1600x32xf32, #tpu.memory_space<vmem>>) dst(%dma_wait3A_50 : memref<1600x32xf32, #tpu.memory_space<hbm>>)
      tpu.yield
    }) : () -> ()
    %add3A_25 = arith.constant 4800 : i32
    %add3A_26 = arith.addi %mul3A_2, %add3A_25 : i32
    "tpu.region"() ({
      %run_scoped3A = tpu.sem_alloc : memref<!tpu.dma_semaphore, #tpu.memory_space<semaphore_mem>>
      %dma_start3A_43 = tpu.memref_slice %arg2[%add3A_26] : memref<204800xi32, #tpu.memory_space<hbm>> -> memref<1600xi32, #tpu.memory_space<hbm>>
      %dma_start3A_44 = tpu.memref_slice %arg2[%add3A_26] : memref<204800xi32, #tpu.memory_space<hbm>> -> memref<1600xi32, #tpu.memory_space<hbm>>
      tpu.enqueue_dma source(%dma_start3A_44 : memref<1600xi32, #tpu.memory_space<hbm>>) target(%arg10 : memref<1600xi32, #tpu.memory_space<vmem>>) target_semaphore(%run_scoped3A : memref<!tpu.dma_semaphore, #tpu.memory_space<semaphore_mem>>)
      %dma_wait3A_45 = tpu.memref_slice %arg2[%add3A_26] : memref<204800xi32, #tpu.memory_space<hbm>> -> memref<1600xi32, #tpu.memory_space<hbm>>
      %dma_wait3A_46 = tpu.memref_slice %arg2[%add3A_26] : memref<204800xi32, #tpu.memory_space<hbm>> -> memref<1600xi32, #tpu.memory_space<hbm>>
      tpu.wait_dma2 semaphore(%run_scoped3A : memref<!tpu.dma_semaphore, #tpu.memory_space<semaphore_mem>>) src(%dma_wait3A_46 : memref<1600xi32, #tpu.memory_space<hbm>>) dst(%arg10 : memref<1600xi32, #tpu.memory_space<vmem>>)
      tpu.yield
    }) : () -> ()
    %dma_start3A_27 = arith.constant 0 : i32
    %dma_start3A_28 = arith.constant 0 : i32
    %dma_start3A_29 = tpu.memref_slice %arg5[%dma_start3A_27, %dma_start3A_28] : memref<1048576x32xf32, #tpu.memory_space<hbm>> -> memref<1048576x32xf32, #tpu.memory_space<hbm>>
    tpu.enqueue_indirect_dma source(%dma_start3A_29 : memref<1048576x32xf32, #tpu.memory_space<hbm>>) target(%arg11 : memref<1600x32xf32, #tpu.memory_space<vmem>>) offsets(%arg10 : memref<1600xi32, #tpu.memory_space<vmem>>) semaphore(%arg16 : memref<!tpu.dma_semaphore, #tpu.memory_space<semaphore_mem>>)
    %dma_wait3A_30 = arith.constant 0 : i32
    %dma_wait3A_31 = arith.constant 0 : i32
    %dma_wait3A_32 = tpu.memref_slice %arg5[%dma_wait3A_30, %dma_wait3A_31] : memref<1048576x32xf32, #tpu.memory_space<hbm>> -> memref<1048576x32xf32, #tpu.memory_space<hbm>>
    tpu.wait_indirect_dma semaphore(%arg16 : memref<!tpu.dma_semaphore, #tpu.memory_space<semaphore_mem>>) src(%dma_wait3A_32 : memref<1048576x32xf32, #tpu.memory_space<hbm>>) dst(%arg11 : memref<1600x32xf32, #tpu.memory_space<vmem>>)
    "tpu.region"() ({
      %run_scoped3A = tpu.sem_alloc : memref<!tpu.dma_semaphore, #tpu.memory_space<semaphore_mem>>
      %dma_start3A_43 = arith.constant 0 : i32
      %dma_start3A_44 = tpu.memref_slice %arg7[%add3A_26, %dma_start3A_43] : memref<204800x32xf32, #tpu.memory_space<hbm>> -> memref<1600x32xf32, #tpu.memory_space<hbm>>
      %dma_start3A_45 = arith.constant 0 : i32
      %dma_start3A_46 = tpu.memref_slice %arg7[%add3A_26, %dma_start3A_45] : memref<204800x32xf32, #tpu.memory_space<hbm>> -> memref<1600x32xf32, #tpu.memory_space<hbm>>
      tpu.enqueue_dma source(%arg11 : memref<1600x32xf32, #tpu.memory_space<vmem>>) target(%dma_start3A_46 : memref<1600x32xf32, #tpu.memory_space<hbm>>) target_semaphore(%run_scoped3A : memref<!tpu.dma_semaphore, #tpu.memory_space<semaphore_mem>>)
      %dma_wait3A_47 = arith.constant 0 : i32
      %dma_wait3A_48 = tpu.memref_slice %arg7[%add3A_26, %dma_wait3A_47] : memref<204800x32xf32, #tpu.memory_space<hbm>> -> memref<1600x32xf32, #tpu.memory_space<hbm>>
      %dma_wait3A_49 = arith.constant 0 : i32
      %dma_wait3A_50 = tpu.memref_slice %arg7[%add3A_26, %dma_wait3A_49] : memref<204800x32xf32, #tpu.memory_space<hbm>> -> memref<1600x32xf32, #tpu.memory_space<hbm>>
      tpu.wait_dma2 semaphore(%run_scoped3A : memref<!tpu.dma_semaphore, #tpu.memory_space<semaphore_mem>>) src(%arg11 : memref<1600x32xf32, #tpu.memory_space<vmem>>) dst(%dma_wait3A_50 : memref<1600x32xf32, #tpu.memory_space<hbm>>)
      tpu.yield
    }) : () -> ()
    %mul3A_33 = arith.constant 1280 : i32
    %mul3A_34 = arith.muli %add3A, %mul3A_33 : i32
    "tpu.region"() ({
      %run_scoped3A = tpu.sem_alloc : memref<!tpu.dma_semaphore, #tpu.memory_space<semaphore_mem>>
      %dma_start3A_43 = tpu.memref_slice %arg3[%mul3A_34] : memref<40960xi32, #tpu.memory_space<hbm>> -> memref<1280xi32, #tpu.memory_space<hbm>>
      %dma_start3A_44 = tpu.memref_slice %arg3[%mul3A_34] : memref<40960xi32, #tpu.memory_space<hbm>> -> memref<1280xi32, #tpu.memory_space<hbm>>
      tpu.enqueue_dma source(%dma_start3A_44 : memref<1280xi32, #tpu.memory_space<hbm>>) target(%arg12 : memref<1280xi32, #tpu.memory_space<vmem>>) target_semaphore(%run_scoped3A : memref<!tpu.dma_semaphore, #tpu.memory_space<semaphore_mem>>)
      %dma_wait3A_45 = tpu.memref_slice %arg3[%mul3A_34] : memref<40960xi32, #tpu.memory_space<hbm>> -> memref<1280xi32, #tpu.memory_space<hbm>>
      %dma_wait3A_46 = tpu.memref_slice %arg3[%mul3A_34] : memref<40960xi32, #tpu.memory_space<hbm>> -> memref<1280xi32, #tpu.memory_space<hbm>>
      tpu.wait_dma2 semaphore(%run_scoped3A : memref<!tpu.dma_semaphore, #tpu.memory_space<semaphore_mem>>) src(%dma_wait3A_46 : memref<1280xi32, #tpu.memory_space<hbm>>) dst(%arg12 : memref<1280xi32, #tpu.memory_space<vmem>>)
      tpu.yield
    }) : () -> ()
    %dma_start3A_35 = arith.constant 0 : i32
    %dma_start3A_36 = arith.constant 0 : i32
    %dma_start3A_37 = tpu.memref_slice %arg6[%dma_start3A_35, %dma_start3A_36] : memref<1310720x32xf32, #tpu.memory_space<hbm>> -> memref<1310720x32xf32, #tpu.memory_space<hbm>>
    tpu.enqueue_indirect_dma source(%dma_start3A_37 : memref<1310720x32xf32, #tpu.memory_space<hbm>>) target(%arg13 : memref<1280x32xf32, #tpu.memory_space<vmem>>) offsets(%arg12 : memref<1280xi32, #tpu.memory_space<vmem>>) semaphore(%arg16 : memref<!tpu.dma_semaphore, #tpu.memory_space<semaphore_mem>>)
    %dma_wait3A_38 = arith.constant 0 : i32
    %dma_wait3A_39 = arith.constant 0 : i32
    %dma_wait3A_40 = tpu.memref_slice %arg6[%dma_wait3A_38, %dma_wait3A_39] : memref<1310720x32xf32, #tpu.memory_space<hbm>> -> memref<1310720x32xf32, #tpu.memory_space<hbm>>
    tpu.wait_indirect_dma semaphore(%arg16 : memref<!tpu.dma_semaphore, #tpu.memory_space<semaphore_mem>>) src(%dma_wait3A_40 : memref<1310720x32xf32, #tpu.memory_space<hbm>>) dst(%arg13 : memref<1280x32xf32, #tpu.memory_space<vmem>>)
    "tpu.region"() ({
      %run_scoped3A = tpu.sem_alloc : memref<!tpu.dma_semaphore, #tpu.memory_space<semaphore_mem>>
      %dma_start3A_43 = arith.constant 0 : i32
      %dma_start3A_44 = tpu.memref_slice %arg8[%mul3A_34, %dma_start3A_43] : memref<40960x32xf32, #tpu.memory_space<hbm>> -> memref<1280x32xf32, #tpu.memory_space<hbm>>
      %dma_start3A_45 = arith.constant 0 : i32
      %dma_start3A_46 = tpu.memref_slice %arg8[%mul3A_34, %dma_start3A_45] : memref<40960x32xf32, #tpu.memory_space<hbm>> -> memref<1280x32xf32, #tpu.memory_space<hbm>>
      tpu.enqueue_dma source(%arg13 : memref<1280x32xf32, #tpu.memory_space<vmem>>) target(%dma_start3A_46 : memref<1280x32xf32, #tpu.memory_space<hbm>>) target_semaphore(%run_scoped3A : memref<!tpu.dma_semaphore, #tpu.memory_space<semaphore_mem>>)
      %dma_wait3A_47 = arith.constant 0 : i32
      %dma_wait3A_48 = tpu.memref_slice %arg8[%mul3A_34, %dma_wait3A_47] : memref<40960x32xf32, #tpu.memory_space<hbm>> -> memref<1280x32xf32, #tpu.memory_space<hbm>>
      %dma_wait3A_49 = arith.constant 0 : i32
      %dma_wait3A_50 = tpu.memref_slice %arg8[%mul3A_34, %dma_wait3A_49] : memref<40960x32xf32, #tpu.memory_space<hbm>> -> memref<1280x32xf32, #tpu.memory_space<hbm>>
      tpu.wait_dma2 semaphore(%run_scoped3A : memref<!tpu.dma_semaphore, #tpu.memory_space<semaphore_mem>>) src(%arg13 : memref<1280x32xf32, #tpu.memory_space<vmem>>) dst(%dma_wait3A_50 : memref<1280x32xf32, #tpu.memory_space<hbm>>)
      tpu.yield
    }) : () -> ()
    %eq3A = arith.constant 0 : i32
    %eq3A_41 = arith.cmpi eq, %add3A, %eq3A : i32
    %convert_element_type3A = arith.extui %eq3A_41 : i1 to i32
    %cond3A = arith.constant 0 : i32
    %cond3A_42 = arith.cmpi ne, %convert_element_type3A, %cond3A : i32
    scf.if %cond3A_42 {
      "tpu.region"() ({
        %run_scoped3A = tpu.sem_alloc : memref<!tpu.dma_semaphore, #tpu.memory_space<semaphore_mem>>
        %dma_start3A_49 = arith.constant 0 : i32
        %dma_start3A_50 = tpu.memref_slice %arg4[%dma_start3A_49] : memref<128xi32, #tpu.memory_space<hbm>> -> memref<128xi32, #tpu.memory_space<hbm>>
        %dma_start3A_51 = arith.constant 0 : i32
        %dma_start3A_52 = tpu.memref_slice %arg4[%dma_start3A_51] : memref<128xi32, #tpu.memory_space<hbm>> -> memref<128xi32, #tpu.memory_space<hbm>>
        tpu.enqueue_dma source(%dma_start3A_52 : memref<128xi32, #tpu.memory_space<hbm>>) target(%arg14 : memref<128xi32, #tpu.memory_space<vmem>>) target_semaphore(%run_scoped3A : memref<!tpu.dma_semaphore, #tpu.memory_space<semaphore_mem>>)
        %dma_wait3A_53 = arith.constant 0 : i32
        %dma_wait3A_54 = tpu.memref_slice %arg4[%dma_wait3A_53] : memref<128xi32, #tpu.memory_space<hbm>> -> memref<128xi32, #tpu.memory_space<hbm>>
        %dma_wait3A_55 = arith.constant 0 : i32
        %dma_wait3A_56 = tpu.memref_slice %arg4[%dma_wait3A_55] : memref<128xi32, #tpu.memory_space<hbm>> -> memref<128xi32, #tpu.memory_space<hbm>>
        tpu.wait_dma2 semaphore(%run_scoped3A : memref<!tpu.dma_semaphore, #tpu.memory_space<semaphore_mem>>) src(%dma_wait3A_56 : memref<128xi32, #tpu.memory_space<hbm>>) dst(%arg14 : memref<128xi32, #tpu.memory_space<vmem>>)
        tpu.yield
      }) : () -> ()
      %dma_start3A_43 = arith.constant 0 : i32
      %dma_start3A_44 = arith.constant 0 : i32
      %dma_start3A_45 = tpu.memref_slice %arg5[%dma_start3A_43, %dma_start3A_44] : memref<1048576x32xf32, #tpu.memory_space<hbm>> -> memref<1048576x32xf32, #tpu.memory_space<hbm>>
      tpu.enqueue_indirect_dma source(%dma_start3A_45 : memref<1048576x32xf32, #tpu.memory_space<hbm>>) target(%arg15 : memref<128x32xf32, #tpu.memory_space<vmem>>) offsets(%arg14 : memref<128xi32, #tpu.memory_space<vmem>>) semaphore(%arg16 : memref<!tpu.dma_semaphore, #tpu.memory_space<semaphore_mem>>)
      %dma_wait3A_46 = arith.constant 0 : i32
      %dma_wait3A_47 = arith.constant 0 : i32
      %dma_wait3A_48 = tpu.memref_slice %arg5[%dma_wait3A_46, %dma_wait3A_47] : memref<1048576x32xf32, #tpu.memory_space<hbm>> -> memref<1048576x32xf32, #tpu.memory_space<hbm>>
      tpu.wait_indirect_dma semaphore(%arg16 : memref<!tpu.dma_semaphore, #tpu.memory_space<semaphore_mem>>) src(%dma_wait3A_48 : memref<1048576x32xf32, #tpu.memory_space<hbm>>) dst(%arg15 : memref<128x32xf32, #tpu.memory_space<vmem>>)
      "tpu.region"() ({
        %run_scoped3A = tpu.sem_alloc : memref<!tpu.dma_semaphore, #tpu.memory_space<semaphore_mem>>
        %dma_start3A_49 = arith.constant 0 : i32
        %dma_start3A_50 = arith.constant 0 : i32
        %dma_start3A_51 = tpu.memref_slice %arg9[%dma_start3A_49, %dma_start3A_50] : memref<128x32xf32, #tpu.memory_space<hbm>> -> memref<128x32xf32, #tpu.memory_space<hbm>>
        %dma_start3A_52 = arith.constant 0 : i32
        %dma_start3A_53 = arith.constant 0 : i32
        %dma_start3A_54 = tpu.memref_slice %arg9[%dma_start3A_52, %dma_start3A_53] : memref<128x32xf32, #tpu.memory_space<hbm>> -> memref<128x32xf32, #tpu.memory_space<hbm>>
        tpu.enqueue_dma source(%arg15 : memref<128x32xf32, #tpu.memory_space<vmem>>) target(%dma_start3A_54 : memref<128x32xf32, #tpu.memory_space<hbm>>) target_semaphore(%run_scoped3A : memref<!tpu.dma_semaphore, #tpu.memory_space<semaphore_mem>>)
        %dma_wait3A_55 = arith.constant 0 : i32
        %dma_wait3A_56 = arith.constant 0 : i32
        %dma_wait3A_57 = tpu.memref_slice %arg9[%dma_wait3A_55, %dma_wait3A_56] : memref<128x32xf32, #tpu.memory_space<hbm>> -> memref<128x32xf32, #tpu.memory_space<hbm>>
        %dma_wait3A_58 = arith.constant 0 : i32
        %dma_wait3A_59 = arith.constant 0 : i32
        %dma_wait3A_60 = tpu.memref_slice %arg9[%dma_wait3A_58, %dma_wait3A_59] : memref<128x32xf32, #tpu.memory_space<hbm>> -> memref<128x32xf32, #tpu.memory_space<hbm>>
        tpu.wait_dma2 semaphore(%run_scoped3A : memref<!tpu.dma_semaphore, #tpu.memory_space<semaphore_mem>>) src(%arg15 : memref<128x32xf32, #tpu.memory_space<vmem>>) dst(%dma_wait3A_60 : memref<128x32xf32, #tpu.memory_space<hbm>>)
        tpu.yield
      }) : () -> ()
    } else {
    }
    return
  }
}

module attributes {stable_mosaic.version = 14 : i64} {
  func.func @_transpose_seq_body(%arg0: i32, %arg1: memref<32x16384xf32, #tpu.memory_space<vmem>>, %arg2: memref<32x16384xf32, #tpu.memory_space<vmem>>, %arg3: memref<32x16384xf32, #tpu.memory_space<vmem>>, %arg4: memref<32x16384xf32, #tpu.memory_space<vmem>>, %arg5: memref<16384x128xf32, #tpu.memory_space<vmem>>) attributes {dimension_semantics = [#tpu.dimension_semantics<arbitrary>], iteration_bounds = array<i64: 16>, scalar_prefetch = 0 : i64, scratch_operands = 0 : i64, tpu.core_type = #tpu.core_type<tc>, window_params = [{transform_indices = @transform_0, window_bounds = array<i64: 32, 16384>}, {transform_indices = @transform_1, window_bounds = array<i64: 32, 16384>}, {transform_indices = @transform_2, window_bounds = array<i64: 32, 16384>}, {transform_indices = @transform_3, window_bounds = array<i64: 32, 16384>}, {transform_indices = @transform_4, window_bounds = array<i64: 16384, 128>}]} {
    %get3A = arith.constant 0 : index
    %get3A_0 = arith.constant 0 : index
    %get3A_1 = vector.load %arg1[%get3A, %get3A_0] : memref<32x16384xf32, #tpu.memory_space<vmem>>, vector<32x16384xf32>
    %get3A_2 = arith.constant 0 : index
    %get3A_3 = arith.constant 0 : index
    %get3A_4 = vector.load %arg2[%get3A_2, %get3A_3] : memref<32x16384xf32, #tpu.memory_space<vmem>>, vector<32x16384xf32>
    %get3A_5 = arith.constant 0 : index
    %get3A_6 = arith.constant 0 : index
    %get3A_7 = vector.load %arg3[%get3A_5, %get3A_6] : memref<32x16384xf32, #tpu.memory_space<vmem>>, vector<32x16384xf32>
    %get3A_8 = arith.constant 0 : index
    %get3A_9 = arith.constant 0 : index
    %get3A_10 = vector.load %arg4[%get3A_8, %get3A_9] : memref<32x16384xf32, #tpu.memory_space<vmem>>, vector<32x16384xf32>
    %concatenate3A = tpu.concatenate %get3A_1, %get3A_4, %get3A_7, %get3A_10 in 0 : vector<32x16384xf32>, vector<32x16384xf32>, vector<32x16384xf32>, vector<32x16384xf32> -> vector<128x16384xf32>
    %transpose3A = tpu.transpose %concatenate3A, [1, 0] : vector<128x16384xf32> -> vector<16384x128xf32>
    %swap3A = arith.constant 0 : index
    %swap3A_11 = arith.constant 0 : index
    %swap3A_12 = vector.load %arg5[%swap3A, %swap3A_11] : memref<16384x128xf32, #tpu.memory_space<vmem>>, vector<16384x128xf32>
    tpu.vector_store %arg5[%swap3A, %swap3A_11], %transpose3A {strides = array<i32>} : memref<16384x128xf32, #tpu.memory_space<vmem>>, vector<16384x128xf32>,
    return
  }
  func.func @transform_0(%arg0: i32) -> (i32, i32) {
    %add3A = arith.constant 0 : i32
    %add3A_0 = arith.addi %arg0, %add3A : i32
    %min3A = arith.constant 61 : i32
    %min3A_1 = arith.minsi %add3A_0, %min3A : i32
    %c0_i32 = arith.constant 0 : i32
    %c0_i32_2 = arith.constant 0 : i32
    return %c0_i32, %min3A_1 : i32, i32
  }
  func.func @transform_1(%arg0: i32) -> (i32, i32) {
    %add3A = arith.constant 16 : i32
    %add3A_0 = arith.addi %arg0, %add3A : i32
    %min3A = arith.constant 61 : i32
    %min3A_1 = arith.minsi %add3A_0, %min3A : i32
    %c0_i32 = arith.constant 0 : i32
    %c0_i32_2 = arith.constant 0 : i32
    return %c0_i32, %min3A_1 : i32, i32
  }
  func.func @transform_2(%arg0: i32) -> (i32, i32) {
    %add3A = arith.constant 32 : i32
    %add3A_0 = arith.addi %arg0, %add3A : i32
    %min3A = arith.constant 61 : i32
    %min3A_1 = arith.minsi %add3A_0, %min3A : i32
    %c0_i32 = arith.constant 0 : i32
    %c0_i32_2 = arith.constant 0 : i32
    return %c0_i32, %min3A_1 : i32, i32
  }
  func.func @transform_3(%arg0: i32) -> (i32, i32) {
    %add3A = arith.constant 48 : i32
    %add3A_0 = arith.addi %arg0, %add3A : i32
    %min3A = arith.constant 61 : i32
    %min3A_1 = arith.minsi %add3A_0, %min3A : i32
    %c0_i32 = arith.constant 0 : i32
    %c0_i32_2 = arith.constant 0 : i32
    return %c0_i32, %min3A_1 : i32, i32
  }
  func.func @transform_4(%arg0: i32) -> (i32, i32) {
    %c0_i32 = arith.constant 0 : i32
    %c0_i32_0 = arith.constant 0 : i32
    return %arg0, %c0_i32 : i32, i32
  }
}

module attributes {stable_mosaic.version = 14 : i64} {
  func.func @_transpose_sp_body(%arg0: i32, %arg1: i32, %arg2: memref<32x16384xf32, #tpu.memory_space<vmem>>, %arg3: memref<32x16384xf32, #tpu.memory_space<vmem>>, %arg4: memref<32x16384xf32, #tpu.memory_space<vmem>>, %arg5: memref<32x16384xf32, #tpu.memory_space<vmem>>, %arg6: memref<16384x128xf32, #tpu.memory_space<vmem>>) attributes {dimension_semantics = [#tpu.dimension_semantics<arbitrary>, #tpu.dimension_semantics<arbitrary>], iteration_bounds = array<i64: 10, 2>, scalar_prefetch = 0 : i64, scratch_operands = 0 : i64, tpu.core_type = #tpu.core_type<tc>, window_params = [{transform_indices = @transform_0, window_bounds = array<i64: 32, 16384>}, {transform_indices = @transform_1, window_bounds = array<i64: 32, 16384>}, {transform_indices = @transform_2, window_bounds = array<i64: 32, 16384>}, {transform_indices = @transform_3, window_bounds = array<i64: 32, 16384>}, {transform_indices = @transform_4, window_bounds = array<i64: 16384, 128>}]} {
    %get3A = arith.constant 0 : index
    %get3A_0 = arith.constant 0 : index
    %get3A_1 = vector.load %arg2[%get3A, %get3A_0] : memref<32x16384xf32, #tpu.memory_space<vmem>>, vector<32x16384xf32>
    %get3A_2 = arith.constant 0 : index
    %get3A_3 = arith.constant 0 : index
    %get3A_4 = vector.load %arg3[%get3A_2, %get3A_3] : memref<32x16384xf32, #tpu.memory_space<vmem>>, vector<32x16384xf32>
    %get3A_5 = arith.constant 0 : index
    %get3A_6 = arith.constant 0 : index
    %get3A_7 = vector.load %arg4[%get3A_5, %get3A_6] : memref<32x16384xf32, #tpu.memory_space<vmem>>, vector<32x16384xf32>
    %get3A_8 = arith.constant 0 : index
    %get3A_9 = arith.constant 0 : index
    %get3A_10 = vector.load %arg5[%get3A_8, %get3A_9] : memref<32x16384xf32, #tpu.memory_space<vmem>>, vector<32x16384xf32>
    %concatenate3A = tpu.concatenate %get3A_1, %get3A_4, %get3A_7, %get3A_10 in 0 : vector<32x16384xf32>, vector<32x16384xf32>, vector<32x16384xf32>, vector<32x16384xf32> -> vector<128x16384xf32>
    %transpose3A = tpu.transpose %concatenate3A, [1, 0] : vector<128x16384xf32> -> vector<16384x128xf32>
    %swap3A = arith.constant 0 : index
    %swap3A_11 = arith.constant 0 : index
    %swap3A_12 = vector.load %arg6[%swap3A, %swap3A_11] : memref<16384x128xf32, #tpu.memory_space<vmem>>, vector<16384x128xf32>
    tpu.vector_store %arg6[%swap3A, %swap3A_11], %transpose3A {strides = array<i32>} : memref<16384x128xf32, #tpu.memory_space<vmem>>, vector<16384x128xf32>,
    return
  }
  func.func @transform_0(%arg0: i32, %arg1: i32) -> (i32, i32) {
    %add3A = arith.constant 0 : i32
    %add3A_0 = arith.addi %arg1, %add3A : i32
    %min3A = arith.constant 6 : i32
    %min3A_1 = arith.minsi %add3A_0, %min3A : i32
    %c0_i32 = arith.constant 0 : i32
    return %arg0, %min3A_1 : i32, i32
  }
  func.func @transform_1(%arg0: i32, %arg1: i32) -> (i32, i32) {
    %add3A = arith.constant 2 : i32
    %add3A_0 = arith.addi %arg1, %add3A : i32
    %min3A = arith.constant 6 : i32
    %min3A_1 = arith.minsi %add3A_0, %min3A : i32
    %c0_i32 = arith.constant 0 : i32
    return %arg0, %min3A_1 : i32, i32
  }
  func.func @transform_2(%arg0: i32, %arg1: i32) -> (i32, i32) {
    %add3A = arith.constant 4 : i32
    %add3A_0 = arith.addi %arg1, %add3A : i32
    %min3A = arith.constant 6 : i32
    %min3A_1 = arith.minsi %add3A_0, %min3A : i32
    %c0_i32 = arith.constant 0 : i32
    return %arg0, %min3A_1 : i32, i32
  }
  func.func @transform_3(%arg0: i32, %arg1: i32) -> (i32, i32) {
    %add3A = arith.constant 6 : i32
    %add3A_0 = arith.addi %arg1, %add3A : i32
    %min3A = arith.constant 6 : i32
    %min3A_1 = arith.minsi %add3A_0, %min3A : i32
    %c0_i32 = arith.constant 0 : i32
    return %arg0, %min3A_1 : i32, i32
  }
  func.func @transform_4(%arg0: i32, %arg1: i32) -> (i32, i32) {
    %mul3A = arith.constant 2 : i32
    %mul3A_0 = arith.muli %arg0, %mul3A : i32
    %add3A = arith.addi %mul3A_0, %arg1 : i32
    %c0_i32 = arith.constant 0 : i32
    %c0_i32_1 = arith.constant 0 : i32
    return %add3A, %c0_i32 : i32, i32
  }
}

module attributes {stable_mosaic.version = 14 : i64} {
  func.func @_tc_dense_body(%arg0: i32, %arg1: memref<50x64x128xf32, #tpu.memory_space<vmem>>, %arg2: memref<64x32xf32, #tpu.memory_space<vmem>>, %arg3: memref<10x64x128xf32, #tpu.memory_space<vmem>>, %arg4: memref<128x32xf32, #tpu.memory_space<vmem>>, %arg5: memref<4x256x64xf32, #tpu.memory_space<vmem>>, %arg6: memref<25x128x128xf32, #tpu.memory_space<vmem>>, %arg7: memref<2x32x128xf32, #tpu.memory_space<vmem>>, %arg8: memref<4x128xf32, #tpu.memory_space<vmem>>, %arg9: memref<256x100xf32, #tpu.memory_space<vmem>>) attributes {dimension_semantics = [#tpu.dimension_semantics<arbitrary>], iteration_bounds = array<i64: 16>, scalar_prefetch = 0 : i64, scratch_operands = 0 : i64, tpu.core_type = #tpu.core_type<tc>, window_params = [{transform_indices = @transform_0, window_bounds = array<i64: 50, 64, 128>}, {transform_indices = @transform_1, window_bounds = array<i64: 64, 32>}, {transform_indices = @transform_2, window_bounds = array<i64: 10, 64, 128>}, {pipeline_mode = #tpu.pipeline_mode<synchronous>, transform_indices = @transform_3, window_bounds = array<i64: 128, 32>}, {pipeline_mode = #tpu.pipeline_mode<synchronous>, transform_indices = @transform_4, window_bounds = array<i64: 4, 256, 64>}, {pipeline_mode = #tpu.pipeline_mode<synchronous>, transform_indices = @transform_5, window_bounds = array<i64: 25, 128, 128>}, {pipeline_mode = #tpu.pipeline_mode<synchronous>, transform_indices = @transform_6, window_bounds = array<i64: 2, 32, 128>}, {pipeline_mode = #tpu.pipeline_mode<synchronous>, transform_indices = @transform_7, window_bounds = array<i64: 4, 128>}, {transform_indices = @transform_8, window_bounds = array<i64: 256, 100>}]} {
    %iota3A = tpu.iota {dimensions = array<i32: 0>} : vector<128x128xi32>
    %jit3A = arith.constant 32 : i32
    %div3A = vector.broadcast %jit3A : i32 to vector<128x128xi32>
    %div3A_0 = arith.divsi %iota3A, %div3A : vector<128x128xi32>
    %sign3A = arith.constant 0 : i32
    %sign3A_1 = vector.broadcast %sign3A : i32 to vector<128x128xi32>
    %sign3A_2 = arith.cmpi sgt, %iota3A, %sign3A_1 : vector<128x128xi32>
    %sign3A_3 = arith.extui %sign3A_2 : vector<128x128xi1> to vector<128x128xi32>
    %sign3A_4 = arith.constant 0 : i32
    %sign3A_5 = vector.broadcast %sign3A_4 : i32 to vector<128x128xi32>
    %sign3A_6 = arith.cmpi slt, %iota3A, %sign3A_5 : vector<128x128xi32>
    %sign3A_7 = arith.extui %sign3A_6 : vector<128x128xi1> to vector<128x128xi32>
    %sign3A_8 = arith.subi %sign3A_3, %sign3A_7 : vector<128x128xi32>
    %sign3A_9 = arith.constant 0 : i32
    %sign3A_10 = arith.cmpi sgt, %jit3A, %sign3A_9 : i32
    %sign3A_11 = arith.extui %sign3A_10 : i1 to i32
    %sign3A_12 = arith.constant 0 : i32
    %sign3A_13 = arith.cmpi slt, %jit3A, %sign3A_12 : i32
    %sign3A_14 = arith.extui %sign3A_13 : i1 to i32
    %sign3A_15 = arith.subi %sign3A_11, %sign3A_14 : i32
    %ne3A = vector.broadcast %sign3A_15 : i32 to vector<128x128xi32>
    %ne3A_16 = arith.cmpi ne, %sign3A_8, %ne3A : vector<128x128xi32>
    %rem3A = vector.broadcast %jit3A : i32 to vector<128x128xi32>
    %rem3A_17 = arith.remsi %iota3A, %rem3A : vector<128x128xi32>
    %ne3A_18 = arith.constant 0 : i32
    %ne3A_19 = vector.broadcast %ne3A_18 : i32 to vector<128x128xi32>
    %ne3A_20 = arith.cmpi ne, %rem3A_17, %ne3A_19 : vector<128x128xi32>
    %and3A = arith.andi %ne3A_16, %ne3A_20 : vector<128x128xi1>
    %sub3A = arith.constant 1 : i32
    %sub3A_21 = vector.broadcast %sub3A : i32 to vector<128x128xi32>
    %sub3A_22 = arith.subi %div3A_0, %sub3A_21 : vector<128x128xi32>
    %select_n3A = arith.select %and3A, %sub3A_22, %div3A_0 : vector<128x128xi1>, vector<128x128xi32>
    %iota3A_23 = tpu.iota {dimensions = array<i32: 1>} : vector<128x128xi32>
    %jit3A_24 = arith.constant 32 : i32
    %div3A_25 = vector.broadcast %jit3A_24 : i32 to vector<128x128xi32>
    %div3A_26 = arith.divsi %iota3A_23, %div3A_25 : vector<128x128xi32>
    %sign3A_27 = arith.constant 0 : i32
    %sign3A_28 = vector.broadcast %sign3A_27 : i32 to vector<128x128xi32>
    %sign3A_29 = arith.cmpi sgt, %iota3A_23, %sign3A_28 : vector<128x128xi32>
    %sign3A_30 = arith.extui %sign3A_29 : vector<128x128xi1> to vector<128x128xi32>
    %sign3A_31 = arith.constant 0 : i32
    %sign3A_32 = vector.broadcast %sign3A_31 : i32 to vector<128x128xi32>
    %sign3A_33 = arith.cmpi slt, %iota3A_23, %sign3A_32 : vector<128x128xi32>
    %sign3A_34 = arith.extui %sign3A_33 : vector<128x128xi1> to vector<128x128xi32>
    %sign3A_35 = arith.subi %sign3A_30, %sign3A_34 : vector<128x128xi32>
    %sign3A_36 = arith.constant 0 : i32
    %sign3A_37 = arith.cmpi sgt, %jit3A_24, %sign3A_36 : i32
    %sign3A_38 = arith.extui %sign3A_37 : i1 to i32
    %sign3A_39 = arith.constant 0 : i32
    %sign3A_40 = arith.cmpi slt, %jit3A_24, %sign3A_39 : i32
    %sign3A_41 = arith.extui %sign3A_40 : i1 to i32
    %sign3A_42 = arith.subi %sign3A_38, %sign3A_41 : i32
    %ne3A_43 = vector.broadcast %sign3A_42 : i32 to vector<128x128xi32>
    %ne3A_44 = arith.cmpi ne, %sign3A_35, %ne3A_43 : vector<128x128xi32>
    %rem3A_45 = vector.broadcast %jit3A_24 : i32 to vector<128x128xi32>
    %rem3A_46 = arith.remsi %iota3A_23, %rem3A_45 : vector<128x128xi32>
    %ne3A_47 = arith.constant 0 : i32
    %ne3A_48 = vector.broadcast %ne3A_47 : i32 to vector<128x128xi32>
    %ne3A_49 = arith.cmpi ne, %rem3A_46, %ne3A_48 : vector<128x128xi32>
    %and3A_50 = arith.andi %ne3A_44, %ne3A_49 : vector<128x128xi1>
    %sub3A_51 = arith.constant 1 : i32
    %sub3A_52 = vector.broadcast %sub3A_51 : i32 to vector<128x128xi32>
    %sub3A_53 = arith.subi %div3A_26, %sub3A_52 : vector<128x128xi32>
    %select_n3A_54 = arith.select %and3A_50, %sub3A_53, %div3A_26 : vector<128x128xi1>, vector<128x128xi32>
    %eq3A = arith.cmpi eq, %select_n3A, %select_n3A_54 : vector<128x128xi32>
    %convert_element_type3A = arith.extui %eq3A : vector<128x128xi1> to vector<128x128xi32>
    %convert_element_type3A_55 = arith.sitofp %convert_element_type3A : vector<128x128xi32> to vector<128x128xf32>
    %get3A = arith.constant 0 : index
    %get3A_56 = arith.constant 0 : index
    %get3A_57 = arith.constant 0 : index
    %get3A_58 = vector.load %arg1[%get3A, %get3A_56, %get3A_57] : memref<50x64x128xf32, #tpu.memory_space<vmem>>, vector<50x64x128xf32>
    %reduce_sum3A = arith.constant dense<0.000000e+00> : vector<64x128xf32>
    %reduce_sum3A_59 = vector.multi_reduction <add>, %get3A_58, %reduce_sum3A [0] : vector<50x64x128xf32> to vector<64x128xf32>
    %div3A_60 = arith.constant 5.000000e+01 : f32
    %div3A_61 = vector.broadcast %div3A_60 : f32 to vector<64x128xf32>
    %div3A_62 = arith.divf %reduce_sum3A_59, %div3A_61 : vector<64x128xf32>
    %slice3A = vector.extract_strided_slice %get3A_58 {offsets = [49, 0, 0], sizes = [1, 64, 128], strides = [1, 1, 1]} : vector<50x64x128xf32> to vector<1x64x128xf32>
    %squeeze3A = vector.shape_cast %slice3A : vector<1x64x128xf32> to vector<64x128xf32>
    %get3A_63 = arith.constant 1 : index
    %get3A_64 = arith.constant 0 : index
    %get3A_65 = arith.constant 0 : index
    %get3A_66 = vector.load %arg6[%get3A_63, %get3A_64, %get3A_65] : memref<25x128x128xf32, #tpu.memory_space<vmem>>, vector<1x128x128xf32>
    %get3A_67 = vector.shape_cast %get3A_66 : vector<1x128x128xf32> to vector<128x128xf32>
    %dot_general3A = arith.constant dense<0.000000e+00> : vector<64x128xf32>
    %dot_general3A_68 = tpu.matmul %div3A_62, %get3A_67, %dot_general3A {dimension_numbers = #tpu.dot_dimension_numbers<[1], [0], [0], [1], [0, 0, 1, 1], [], []>, transpose_lhs_hint = false} : vector<64x128xf32>, vector<128x128xf32>, vector<64x128xf32> -> vector<64x128xf32>
    %get3A_69 = arith.constant 2 : index
    %get3A_70 = arith.constant 0 : index
    %get3A_71 = arith.constant 0 : index
    %get3A_72 = vector.load %arg6[%get3A_69, %get3A_70, %get3A_71] : memref<25x128x128xf32, #tpu.memory_space<vmem>>, vector<1x128x128xf32>
    %get3A_73 = vector.shape_cast %get3A_72 : vector<1x128x128xf32> to vector<128x128xf32>
    %dot_general3A_74 = arith.constant dense<0.000000e+00> : vector<64x128xf32>
    %dot_general3A_75 = tpu.matmul %squeeze3A, %get3A_73, %dot_general3A_74 {dimension_numbers = #tpu.dot_dimension_numbers<[1], [0], [0], [1], [0, 0, 1, 1], [], []>, transpose_lhs_hint = false} : vector<64x128xf32>, vector<128x128xf32>, vector<64x128xf32> -> vector<64x128xf32>
    %add3A = arith.addf %dot_general3A_68, %dot_general3A_75 : vector<64x128xf32>
    %get3A_76 = arith.constant 1 : index
    %get3A_77 = arith.constant 0 : index
    %get3A_78 = vector.load %arg8[%get3A_76, %get3A_77] : memref<4x128xf32, #tpu.memory_space<vmem>>, vector<1x128xf32>
    %add3A_79 = vector.broadcast %get3A_78 : vector<1x128xf32> to vector<64x128xf32>
    %add3A_80 = arith.addf %add3A, %add3A_79 : vector<64x128xf32>
    %reshape3A = vector.shape_cast %get3A_58 : vector<50x64x128xf32> to vector<3200x128xf32>
    %get3A_81 = arith.constant 0 : index
    %get3A_82 = arith.constant 0 : index
    %get3A_83 = arith.constant 0 : index
    %get3A_84 = vector.load %arg6[%get3A_81, %get3A_82, %get3A_83] : memref<25x128x128xf32, #tpu.memory_space<vmem>>, vector<1x128x128xf32>
    %get3A_85 = vector.shape_cast %get3A_84 : vector<1x128x128xf32> to vector<128x128xf32>
    %dot_general3A_86 = arith.constant dense<0.000000e+00> : vector<3200x128xf32>
    %dot_general3A_87 = tpu.matmul %reshape3A, %get3A_85, %dot_general3A_86 {dimension_numbers = #tpu.dot_dimension_numbers<[1], [0], [0], [1], [0, 0, 1, 1], [], []>, transpose_lhs_hint = false} : vector<3200x128xf32>, vector<128x128xf32>, vector<3200x128xf32> -> vector<3200x128xf32>
    %reshape3A_88 = vector.shape_cast %dot_general3A_87 : vector<3200x128xf32> to vector<50x64x128xf32>
    %broadcast_in_dim3A = vector.shape_cast %add3A_80 : vector<64x128xf32> to vector<1x64x128xf32>
    %add3A_89 = vector.broadcast %broadcast_in_dim3A : vector<1x64x128xf32> to vector<50x64x128xf32>
    %add3A_90 = arith.addf %reshape3A_88, %add3A_89 : vector<50x64x128xf32>
    %logistic3A = arith.negf %add3A_90 : vector<50x64x128xf32>
    %logistic3A_91 = math.exp %logistic3A : vector<50x64x128xf32>
    %logistic3A_92 = arith.constant 1.000000e+00 : f32
    %logistic3A_93 = vector.broadcast %logistic3A_92 : f32 to vector<50x64x128xf32>
    %logistic3A_94 = arith.addf %logistic3A_93, %logistic3A_91 : vector<50x64x128xf32>
    %logistic3A_95 = arith.divf %logistic3A_93, %logistic3A_94 : vector<50x64x128xf32>
    %get3A_96 = arith.constant 0 : index
    %get3A_97 = arith.constant 0 : index
    %get3A_98 = vector.load %arg8[%get3A_96, %get3A_97] : memref<4x128xf32, #tpu.memory_space<vmem>>, vector<1x128xf32>
    %broadcast_in_dim3A_99 = vector.shape_cast %get3A_98 : vector<1x128xf32> to vector<1x1x128xf32>
    %mul3A = vector.broadcast %broadcast_in_dim3A_99 : vector<1x1x128xf32> to vector<50x64x128xf32>
    %mul3A_100 = arith.mulf %logistic3A_95, %mul3A : vector<50x64x128xf32>
    %reshape3A_101 = vector.shape_cast %mul3A_100 : vector<50x64x128xf32> to vector<3200x128xf32>
    %dot_general3A_102 = arith.constant dense<0.000000e+00> : vector<3200x128xf32>
    %dot_general3A_103 = tpu.matmul %reshape3A_101, %convert_element_type3A_55, %dot_general3A_102 {dimension_numbers = #tpu.dot_dimension_numbers<[1], [0], [0], [1], [0, 0, 1, 1], [], []>, transpose_lhs_hint = false} : vector<3200x128xf32>, vector<128x128xf32>, vector<3200x128xf32> -> vector<3200x128xf32>
    %reshape3A_104 = vector.shape_cast %dot_general3A_103 : vector<3200x128xf32> to vector<50x64x128xf32>
    %mul3A_105 = arith.mulf %reshape3A_104, %get3A_58 : vector<50x64x128xf32>
    %reduce_sum3A_106 = arith.constant dense<0.000000e+00> : vector<64x128xf32>
    %reduce_sum3A_107 = vector.multi_reduction <add>, %mul3A_105, %reduce_sum3A_106 [0] : vector<50x64x128xf32> to vector<64x128xf32>
    %get3A_108 = arith.constant 0 : index
    %get3A_109 = arith.constant 0 : index
    %get3A_110 = vector.load %arg2[%get3A_108, %get3A_109] : memref<64x32xf32, #tpu.memory_space<vmem>>, vector<64x32xf32>
    %get3A_111 = arith.constant 3 : index
    %get3A_112 = arith.constant 0 : index
    %get3A_113 = arith.constant 0 : index
    %get3A_114 = vector.load %arg6[%get3A_111, %get3A_112, %get3A_113] : memref<25x128x128xf32, #tpu.memory_space<vmem>>, vector<1x128x128xf32>
    %get3A_115 = vector.shape_cast %get3A_114 : vector<1x128x128xf32> to vector<128x128xf32>
    %dot_general3A_116 = arith.constant dense<0.000000e+00> : vector<64x128xf32>
    %dot_general3A_117 = tpu.matmul %reduce_sum3A_107, %get3A_115, %dot_general3A_116 {dimension_numbers = #tpu.dot_dimension_numbers<[1], [0], [0], [1], [0, 0, 1, 1], [], []>, transpose_lhs_hint = false} : vector<64x128xf32>, vector<128x128xf32>, vector<64x128xf32> -> vector<64x128xf32>
    %get3A_118 = arith.constant 0 : index
    %get3A_119 = arith.constant 0 : index
    %get3A_120 = arith.constant 0 : index
    %get3A_121 = vector.load %arg7[%get3A_118, %get3A_119, %get3A_120] : memref<2x32x128xf32, #tpu.memory_space<vmem>>, vector<1x32x128xf32>
    %get3A_122 = vector.shape_cast %get3A_121 : vector<1x32x128xf32> to vector<32x128xf32>
    %dot_general3A_123 = arith.constant dense<0.000000e+00> : vector<64x128xf32>
    %dot_general3A_124 = tpu.matmul %get3A_110, %get3A_122, %dot_general3A_123 {dimension_numbers = #tpu.dot_dimension_numbers<[1], [0], [0], [1], [0, 0, 1, 1], [], []>, transpose_lhs_hint = false} : vector<64x32xf32>, vector<32x128xf32>, vector<64x128xf32> -> vector<64x128xf32>
    %add3A_125 = arith.addf %dot_general3A_117, %dot_general3A_124 : vector<64x128xf32>
    %get3A_126 = arith.constant 2 : index
    %get3A_127 = arith.constant 0 : index
    %get3A_128 = vector.load %arg8[%get3A_126, %get3A_127] : memref<4x128xf32, #tpu.memory_space<vmem>>, vector<1x128xf32>
    %add3A_129 = vector.broadcast %get3A_128 : vector<1x128xf32> to vector<64x128xf32>
    %add3A_130 = arith.addf %add3A_125, %add3A_129 : vector<64x128xf32>
    %get3A_131 = arith.constant 4 : index
    %get3A_132 = arith.constant 0 : index
    %get3A_133 = arith.constant 0 : index
    %get3A_134 = vector.load %arg6[%get3A_131, %get3A_132, %get3A_133] : memref<25x128x128xf32, #tpu.memory_space<vmem>>, vector<1x128x128xf32>
    %get3A_135 = vector.shape_cast %get3A_134 : vector<1x128x128xf32> to vector<128x128xf32>
    %dot_general3A_136 = arith.constant dense<0.000000e+00> : vector<64x128xf32>
    %dot_general3A_137 = tpu.matmul %squeeze3A, %get3A_135, %dot_general3A_136 {dimension_numbers = #tpu.dot_dimension_numbers<[1], [0], [0], [1], [0, 0, 1, 1], [], []>, transpose_lhs_hint = false} : vector<64x128xf32>, vector<128x128xf32>, vector<64x128xf32> -> vector<64x128xf32>
    %get3A_138 = arith.constant 1 : index
    %get3A_139 = arith.constant 0 : index
    %get3A_140 = arith.constant 0 : index
    %get3A_141 = vector.load %arg7[%get3A_138, %get3A_139, %get3A_140] : memref<2x32x128xf32, #tpu.memory_space<vmem>>, vector<1x32x128xf32>
    %get3A_142 = vector.shape_cast %get3A_141 : vector<1x32x128xf32> to vector<32x128xf32>
    %dot_general3A_143 = arith.constant dense<0.000000e+00> : vector<64x128xf32>
    %dot_general3A_144 = tpu.matmul %get3A_110, %get3A_142, %dot_general3A_143 {dimension_numbers = #tpu.dot_dimension_numbers<[1], [0], [0], [1], [0, 0, 1, 1], [], []>, transpose_lhs_hint = false} : vector<64x32xf32>, vector<32x128xf32>, vector<64x128xf32> -> vector<64x128xf32>
    %add3A_145 = arith.addf %dot_general3A_137, %dot_general3A_144 : vector<64x128xf32>
    %get3A_146 = arith.constant 3 : index
    %get3A_147 = arith.constant 0 : index
    %get3A_148 = vector.load %arg8[%get3A_146, %get3A_147] : memref<4x128xf32, #tpu.memory_space<vmem>>, vector<1x128xf32>
    %add3A_149 = vector.broadcast %get3A_148 : vector<1x128xf32> to vector<64x128xf32>
    %add3A_150 = arith.addf %add3A_145, %add3A_149 : vector<64x128xf32>
    %get3A_151 = arith.constant 0 : index
    %get3A_152 = arith.constant 0 : index
    %get3A_153 = arith.constant 0 : index
    %get3A_154 = vector.load %arg3[%get3A_151, %get3A_152, %get3A_153] : memref<10x64x128xf32, #tpu.memory_space<vmem>>, vector<1x64x128xf32>
    %get3A_155 = vector.shape_cast %get3A_154 : vector<1x64x128xf32> to vector<64x128xf32>
    %get3A_156 = arith.constant 5 : index
    %get3A_157 = arith.constant 0 : index
    %get3A_158 = arith.constant 0 : index
    %get3A_159 = vector.load %arg6[%get3A_156, %get3A_157, %get3A_158] : memref<25x128x128xf32, #tpu.memory_space<vmem>>, vector<1x128x128xf32>
    %get3A_160 = vector.shape_cast %get3A_159 : vector<1x128x128xf32> to vector<128x128xf32>
    %dot_general3A_161 = arith.constant dense<0.000000e+00> : vector<64x128xf32>
    %dot_general3A_162 = tpu.matmul %get3A_155, %get3A_160, %dot_general3A_161 {dimension_numbers = #tpu.dot_dimension_numbers<[1], [0], [0], [1], [0, 0, 1, 1], [], []>, transpose_lhs_hint = false} : vector<64x128xf32>, vector<128x128xf32>, vector<64x128xf32> -> vector<64x128xf32>
    %add3A_163 = arith.addf %add3A_130, %dot_general3A_162 : vector<64x128xf32>
    %get3A_164 = arith.constant 15 : index
    %get3A_165 = arith.constant 0 : index
    %get3A_166 = arith.constant 0 : index
    %get3A_167 = vector.load %arg6[%get3A_164, %get3A_165, %get3A_166] : memref<25x128x128xf32, #tpu.memory_space<vmem>>, vector<1x128x128xf32>
    %get3A_168 = vector.shape_cast %get3A_167 : vector<1x128x128xf32> to vector<128x128xf32>
    %dot_general3A_169 = arith.constant dense<0.000000e+00> : vector<64x128xf32>
    %dot_general3A_170 = tpu.matmul %get3A_155, %get3A_168, %dot_general3A_169 {dimension_numbers = #tpu.dot_dimension_numbers<[1], [0], [0], [1], [0, 0, 1, 1], [], []>, transpose_lhs_hint = false} : vector<64x128xf32>, vector<128x128xf32>, vector<64x128xf32> -> vector<64x128xf32>
    %add3A_171 = arith.addf %add3A_150, %dot_general3A_170 : vector<64x128xf32>
    %get3A_172 = arith.constant 1 : index
    %get3A_173 = arith.constant 0 : index
    %get3A_174 = arith.constant 0 : index
    %get3A_175 = vector.load %arg3[%get3A_172, %get3A_173, %get3A_174] : memref<10x64x128xf32, #tpu.memory_space<vmem>>, vector<1x64x128xf32>
    %get3A_176 = vector.shape_cast %get3A_175 : vector<1x64x128xf32> to vector<64x128xf32>
    %get3A_177 = arith.constant 6 : index
    %get3A_178 = arith.constant 0 : index
    %get3A_179 = arith.constant 0 : index
    %get3A_180 = vector.load %arg6[%get3A_177, %get3A_178, %get3A_179] : memref<25x128x128xf32, #tpu.memory_space<vmem>>, vector<1x128x128xf32>
    %get3A_181 = vector.shape_cast %get3A_180 : vector<1x128x128xf32> to vector<128x128xf32>
    %dot_general3A_182 = arith.constant dense<0.000000e+00> : vector<64x128xf32>
    %dot_general3A_183 = tpu.matmul %get3A_176, %get3A_181, %dot_general3A_182 {dimension_numbers = #tpu.dot_dimension_numbers<[1], [0], [0], [1], [0, 0, 1, 1], [], []>, transpose_lhs_hint = false} : vector<64x128xf32>, vector<128x128xf32>, vector<64x128xf32> -> vector<64x128xf32>
    %add3A_184 = arith.addf %add3A_163, %dot_general3A_183 : vector<64x128xf32>
    %get3A_185 = arith.constant 16 : index
    %get3A_186 = arith.constant 0 : index
    %get3A_187 = arith.constant 0 : index
    %get3A_188 = vector.load %arg6[%get3A_185, %get3A_186, %get3A_187] : memref<25x128x128xf32, #tpu.memory_space<vmem>>, vector<1x128x128xf32>
    %get3A_189 = vector.shape_cast %get3A_188 : vector<1x128x128xf32> to vector<128x128xf32>
    %dot_general3A_190 = arith.constant dense<0.000000e+00> : vector<64x128xf32>
    %dot_general3A_191 = tpu.matmul %get3A_176, %get3A_189, %dot_general3A_190 {dimension_numbers = #tpu.dot_dimension_numbers<[1], [0], [0], [1], [0, 0, 1, 1], [], []>, transpose_lhs_hint = false} : vector<64x128xf32>, vector<128x128xf32>, vector<64x128xf32> -> vector<64x128xf32>
    %add3A_192 = arith.addf %add3A_171, %dot_general3A_191 : vector<64x128xf32>
    %get3A_193 = arith.constant 2 : index
    %get3A_194 = arith.constant 0 : index
    %get3A_195 = arith.constant 0 : index
    %get3A_196 = vector.load %arg3[%get3A_193, %get3A_194, %get3A_195] : memref<10x64x128xf32, #tpu.memory_space<vmem>>, vector<1x64x128xf32>
    %get3A_197 = vector.shape_cast %get3A_196 : vector<1x64x128xf32> to vector<64x128xf32>
    %get3A_198 = arith.constant 7 : index
    %get3A_199 = arith.constant 0 : index
    %get3A_200 = arith.constant 0 : index
    %get3A_201 = vector.load %arg6[%get3A_198, %get3A_199, %get3A_200] : memref<25x128x128xf32, #tpu.memory_space<vmem>>, vector<1x128x128xf32>
    %get3A_202 = vector.shape_cast %get3A_201 : vector<1x128x128xf32> to vector<128x128xf32>
    %dot_general3A_203 = arith.constant dense<0.000000e+00> : vector<64x128xf32>
    %dot_general3A_204 = tpu.matmul %get3A_197, %get3A_202, %dot_general3A_203 {dimension_numbers = #tpu.dot_dimension_numbers<[1], [0], [0], [1], [0, 0, 1, 1], [], []>, transpose_lhs_hint = false} : vector<64x128xf32>, vector<128x128xf32>, vector<64x128xf32> -> vector<64x128xf32>
    %add3A_205 = arith.addf %add3A_184, %dot_general3A_204 : vector<64x128xf32>
    %get3A_206 = arith.constant 17 : index
    %get3A_207 = arith.constant 0 : index
    %get3A_208 = arith.constant 0 : index
    %get3A_209 = vector.load %arg6[%get3A_206, %get3A_207, %get3A_208] : memref<25x128x128xf32, #tpu.memory_space<vmem>>, vector<1x128x128xf32>
    %get3A_210 = vector.shape_cast %get3A_209 : vector<1x128x128xf32> to vector<128x128xf32>
    %dot_general3A_211 = arith.constant dense<0.000000e+00> : vector<64x128xf32>
    %dot_general3A_212 = tpu.matmul %get3A_197, %get3A_210, %dot_general3A_211 {dimension_numbers = #tpu.dot_dimension_numbers<[1], [0], [0], [1], [0, 0, 1, 1], [], []>, transpose_lhs_hint = false} : vector<64x128xf32>, vector<128x128xf32>, vector<64x128xf32> -> vector<64x128xf32>
    %add3A_213 = arith.addf %add3A_192, %dot_general3A_212 : vector<64x128xf32>
    %get3A_214 = arith.constant 3 : index
    %get3A_215 = arith.constant 0 : index
    %get3A_216 = arith.constant 0 : index
    %get3A_217 = vector.load %arg3[%get3A_214, %get3A_215, %get3A_216] : memref<10x64x128xf32, #tpu.memory_space<vmem>>, vector<1x64x128xf32>
    %get3A_218 = vector.shape_cast %get3A_217 : vector<1x64x128xf32> to vector<64x128xf32>
    %get3A_219 = arith.constant 8 : index
    %get3A_220 = arith.constant 0 : index
    %get3A_221 = arith.constant 0 : index
    %get3A_222 = vector.load %arg6[%get3A_219, %get3A_220, %get3A_221] : memref<25x128x128xf32, #tpu.memory_space<vmem>>, vector<1x128x128xf32>
    %get3A_223 = vector.shape_cast %get3A_222 : vector<1x128x128xf32> to vector<128x128xf32>
    %dot_general3A_224 = arith.constant dense<0.000000e+00> : vector<64x128xf32>
    %dot_general3A_225 = tpu.matmul %get3A_218, %get3A_223, %dot_general3A_224 {dimension_numbers = #tpu.dot_dimension_numbers<[1], [0], [0], [1], [0, 0, 1, 1], [], []>, transpose_lhs_hint = false} : vector<64x128xf32>, vector<128x128xf32>, vector<64x128xf32> -> vector<64x128xf32>
    %add3A_226 = arith.addf %add3A_205, %dot_general3A_225 : vector<64x128xf32>
    %get3A_227 = arith.constant 18 : index
    %get3A_228 = arith.constant 0 : index
    %get3A_229 = arith.constant 0 : index
    %get3A_230 = vector.load %arg6[%get3A_227, %get3A_228, %get3A_229] : memref<25x128x128xf32, #tpu.memory_space<vmem>>, vector<1x128x128xf32>
    %get3A_231 = vector.shape_cast %get3A_230 : vector<1x128x128xf32> to vector<128x128xf32>
    %dot_general3A_232 = arith.constant dense<0.000000e+00> : vector<64x128xf32>
    %dot_general3A_233 = tpu.matmul %get3A_218, %get3A_231, %dot_general3A_232 {dimension_numbers = #tpu.dot_dimension_numbers<[1], [0], [0], [1], [0, 0, 1, 1], [], []>, transpose_lhs_hint = false} : vector<64x128xf32>, vector<128x128xf32>, vector<64x128xf32> -> vector<64x128xf32>
    %add3A_234 = arith.addf %add3A_213, %dot_general3A_233 : vector<64x128xf32>
    %get3A_235 = arith.constant 4 : index
    %get3A_236 = arith.constant 0 : index
    %get3A_237 = arith.constant 0 : index
    %get3A_238 = vector.load %arg3[%get3A_235, %get3A_236, %get3A_237] : memref<10x64x128xf32, #tpu.memory_space<vmem>>, vector<1x64x128xf32>
    %get3A_239 = vector.shape_cast %get3A_238 : vector<1x64x128xf32> to vector<64x128xf32>
    %get3A_240 = arith.constant 9 : index
    %get3A_241 = arith.constant 0 : index
    %get3A_242 = arith.constant 0 : index
    %get3A_243 = vector.load %arg6[%get3A_240, %get3A_241, %get3A_242] : memref<25x128x128xf32, #tpu.memory_space<vmem>>, vector<1x128x128xf32>
    %get3A_244 = vector.shape_cast %get3A_243 : vector<1x128x128xf32> to vector<128x128xf32>
    %dot_general3A_245 = arith.constant dense<0.000000e+00> : vector<64x128xf32>
    %dot_general3A_246 = tpu.matmul %get3A_239, %get3A_244, %dot_general3A_245 {dimension_numbers = #tpu.dot_dimension_numbers<[1], [0], [0], [1], [0, 0, 1, 1], [], []>, transpose_lhs_hint = false} : vector<64x128xf32>, vector<128x128xf32>, vector<64x128xf32> -> vector<64x128xf32>
    %add3A_247 = arith.addf %add3A_226, %dot_general3A_246 : vector<64x128xf32>
    %get3A_248 = arith.constant 19 : index
    %get3A_249 = arith.constant 0 : index
    %get3A_250 = arith.constant 0 : index
    %get3A_251 = vector.load %arg6[%get3A_248, %get3A_249, %get3A_250] : memref<25x128x128xf32, #tpu.memory_space<vmem>>, vector<1x128x128xf32>
    %get3A_252 = vector.shape_cast %get3A_251 : vector<1x128x128xf32> to vector<128x128xf32>
    %dot_general3A_253 = arith.constant dense<0.000000e+00> : vector<64x128xf32>
    %dot_general3A_254 = tpu.matmul %get3A_239, %get3A_252, %dot_general3A_253 {dimension_numbers = #tpu.dot_dimension_numbers<[1], [0], [0], [1], [0, 0, 1, 1], [], []>, transpose_lhs_hint = false} : vector<64x128xf32>, vector<128x128xf32>, vector<64x128xf32> -> vector<64x128xf32>
    %add3A_255 = arith.addf %add3A_234, %dot_general3A_254 : vector<64x128xf32>
    %get3A_256 = arith.constant 5 : index
    %get3A_257 = arith.constant 0 : index
    %get3A_258 = arith.constant 0 : index
    %get3A_259 = vector.load %arg3[%get3A_256, %get3A_257, %get3A_258] : memref<10x64x128xf32, #tpu.memory_space<vmem>>, vector<1x64x128xf32>
    %get3A_260 = vector.shape_cast %get3A_259 : vector<1x64x128xf32> to vector<64x128xf32>
    %get3A_261 = arith.constant 10 : index
    %get3A_262 = arith.constant 0 : index
    %get3A_263 = arith.constant 0 : index
    %get3A_264 = vector.load %arg6[%get3A_261, %get3A_262, %get3A_263] : memref<25x128x128xf32, #tpu.memory_space<vmem>>, vector<1x128x128xf32>
    %get3A_265 = vector.shape_cast %get3A_264 : vector<1x128x128xf32> to vector<128x128xf32>
    %dot_general3A_266 = arith.constant dense<0.000000e+00> : vector<64x128xf32>
    %dot_general3A_267 = tpu.matmul %get3A_260, %get3A_265, %dot_general3A_266 {dimension_numbers = #tpu.dot_dimension_numbers<[1], [0], [0], [1], [0, 0, 1, 1], [], []>, transpose_lhs_hint = false} : vector<64x128xf32>, vector<128x128xf32>, vector<64x128xf32> -> vector<64x128xf32>
    %add3A_268 = arith.addf %add3A_247, %dot_general3A_267 : vector<64x128xf32>
    %get3A_269 = arith.constant 20 : index
    %get3A_270 = arith.constant 0 : index
    %get3A_271 = arith.constant 0 : index
    %get3A_272 = vector.load %arg6[%get3A_269, %get3A_270, %get3A_271] : memref<25x128x128xf32, #tpu.memory_space<vmem>>, vector<1x128x128xf32>
    %get3A_273 = vector.shape_cast %get3A_272 : vector<1x128x128xf32> to vector<128x128xf32>
    %dot_general3A_274 = arith.constant dense<0.000000e+00> : vector<64x128xf32>
    %dot_general3A_275 = tpu.matmul %get3A_260, %get3A_273, %dot_general3A_274 {dimension_numbers = #tpu.dot_dimension_numbers<[1], [0], [0], [1], [0, 0, 1, 1], [], []>, transpose_lhs_hint = false} : vector<64x128xf32>, vector<128x128xf32>, vector<64x128xf32> -> vector<64x128xf32>
    %add3A_276 = arith.addf %add3A_255, %dot_general3A_275 : vector<64x128xf32>
    %get3A_277 = arith.constant 6 : index
    %get3A_278 = arith.constant 0 : index
    %get3A_279 = arith.constant 0 : index
    %get3A_280 = vector.load %arg3[%get3A_277, %get3A_278, %get3A_279] : memref<10x64x128xf32, #tpu.memory_space<vmem>>, vector<1x64x128xf32>
    %get3A_281 = vector.shape_cast %get3A_280 : vector<1x64x128xf32> to vector<64x128xf32>
    %get3A_282 = arith.constant 11 : index
    %get3A_283 = arith.constant 0 : index
    %get3A_284 = arith.constant 0 : index
    %get3A_285 = vector.load %arg6[%get3A_282, %get3A_283, %get3A_284] : memref<25x128x128xf32, #tpu.memory_space<vmem>>, vector<1x128x128xf32>
    %get3A_286 = vector.shape_cast %get3A_285 : vector<1x128x128xf32> to vector<128x128xf32>
    %dot_general3A_287 = arith.constant dense<0.000000e+00> : vector<64x128xf32>
    %dot_general3A_288 = tpu.matmul %get3A_281, %get3A_286, %dot_general3A_287 {dimension_numbers = #tpu.dot_dimension_numbers<[1], [0], [0], [1], [0, 0, 1, 1], [], []>, transpose_lhs_hint = false} : vector<64x128xf32>, vector<128x128xf32>, vector<64x128xf32> -> vector<64x128xf32>
    %add3A_289 = arith.addf %add3A_268, %dot_general3A_288 : vector<64x128xf32>
    %get3A_290 = arith.constant 21 : index
    %get3A_291 = arith.constant 0 : index
    %get3A_292 = arith.constant 0 : index
    %get3A_293 = vector.load %arg6[%get3A_290, %get3A_291, %get3A_292] : memref<25x128x128xf32, #tpu.memory_space<vmem>>, vector<1x128x128xf32>
    %get3A_294 = vector.shape_cast %get3A_293 : vector<1x128x128xf32> to vector<128x128xf32>
    %dot_general3A_295 = arith.constant dense<0.000000e+00> : vector<64x128xf32>
    %dot_general3A_296 = tpu.matmul %get3A_281, %get3A_294, %dot_general3A_295 {dimension_numbers = #tpu.dot_dimension_numbers<[1], [0], [0], [1], [0, 0, 1, 1], [], []>, transpose_lhs_hint = false} : vector<64x128xf32>, vector<128x128xf32>, vector<64x128xf32> -> vector<64x128xf32>
    %add3A_297 = arith.addf %add3A_276, %dot_general3A_296 : vector<64x128xf32>
    %get3A_298 = arith.constant 7 : index
    %get3A_299 = arith.constant 0 : index
    %get3A_300 = arith.constant 0 : index
    %get3A_301 = vector.load %arg3[%get3A_298, %get3A_299, %get3A_300] : memref<10x64x128xf32, #tpu.memory_space<vmem>>, vector<1x64x128xf32>
    %get3A_302 = vector.shape_cast %get3A_301 : vector<1x64x128xf32> to vector<64x128xf32>
    %get3A_303 = arith.constant 12 : index
    %get3A_304 = arith.constant 0 : index
    %get3A_305 = arith.constant 0 : index
    %get3A_306 = vector.load %arg6[%get3A_303, %get3A_304, %get3A_305] : memref<25x128x128xf32, #tpu.memory_space<vmem>>, vector<1x128x128xf32>
    %get3A_307 = vector.shape_cast %get3A_306 : vector<1x128x128xf32> to vector<128x128xf32>
    %dot_general3A_308 = arith.constant dense<0.000000e+00> : vector<64x128xf32>
    %dot_general3A_309 = tpu.matmul %get3A_302, %get3A_307, %dot_general3A_308 {dimension_numbers = #tpu.dot_dimension_numbers<[1], [0], [0], [1], [0, 0, 1, 1], [], []>, transpose_lhs_hint = false} : vector<64x128xf32>, vector<128x128xf32>, vector<64x128xf32> -> vector<64x128xf32>
    %add3A_310 = arith.addf %add3A_289, %dot_general3A_309 : vector<64x128xf32>
    %get3A_311 = arith.constant 22 : index
    %get3A_312 = arith.constant 0 : index
    %get3A_313 = arith.constant 0 : index
    %get3A_314 = vector.load %arg6[%get3A_311, %get3A_312, %get3A_313] : memref<25x128x128xf32, #tpu.memory_space<vmem>>, vector<1x128x128xf32>
    %get3A_315 = vector.shape_cast %get3A_314 : vector<1x128x128xf32> to vector<128x128xf32>
    %dot_general3A_316 = arith.constant dense<0.000000e+00> : vector<64x128xf32>
    %dot_general3A_317 = tpu.matmul %get3A_302, %get3A_315, %dot_general3A_316 {dimension_numbers = #tpu.dot_dimension_numbers<[1], [0], [0], [1], [0, 0, 1, 1], [], []>, transpose_lhs_hint = false} : vector<64x128xf32>, vector<128x128xf32>, vector<64x128xf32> -> vector<64x128xf32>
    %add3A_318 = arith.addf %add3A_297, %dot_general3A_317 : vector<64x128xf32>
    %get3A_319 = arith.constant 8 : index
    %get3A_320 = arith.constant 0 : index
    %get3A_321 = arith.constant 0 : index
    %get3A_322 = vector.load %arg3[%get3A_319, %get3A_320, %get3A_321] : memref<10x64x128xf32, #tpu.memory_space<vmem>>, vector<1x64x128xf32>
    %get3A_323 = vector.shape_cast %get3A_322 : vector<1x64x128xf32> to vector<64x128xf32>
    %get3A_324 = arith.constant 13 : index
    %get3A_325 = arith.constant 0 : index
    %get3A_326 = arith.constant 0 : index
    %get3A_327 = vector.load %arg6[%get3A_324, %get3A_325, %get3A_326] : memref<25x128x128xf32, #tpu.memory_space<vmem>>, vector<1x128x128xf32>
    %get3A_328 = vector.shape_cast %get3A_327 : vector<1x128x128xf32> to vector<128x128xf32>
    %dot_general3A_329 = arith.constant dense<0.000000e+00> : vector<64x128xf32>
    %dot_general3A_330 = tpu.matmul %get3A_323, %get3A_328, %dot_general3A_329 {dimension_numbers = #tpu.dot_dimension_numbers<[1], [0], [0], [1], [0, 0, 1, 1], [], []>, transpose_lhs_hint = false} : vector<64x128xf32>, vector<128x128xf32>, vector<64x128xf32> -> vector<64x128xf32>
    %add3A_331 = arith.addf %add3A_310, %dot_general3A_330 : vector<64x128xf32>
    %get3A_332 = arith.constant 23 : index
    %get3A_333 = arith.constant 0 : index
    %get3A_334 = arith.constant 0 : index
    %get3A_335 = vector.load %arg6[%get3A_332, %get3A_333, %get3A_334] : memref<25x128x128xf32, #tpu.memory_space<vmem>>, vector<1x128x128xf32>
    %get3A_336 = vector.shape_cast %get3A_335 : vector<1x128x128xf32> to vector<128x128xf32>
    %dot_general3A_337 = arith.constant dense<0.000000e+00> : vector<64x128xf32>
    %dot_general3A_338 = tpu.matmul %get3A_323, %get3A_336, %dot_general3A_337 {dimension_numbers = #tpu.dot_dimension_numbers<[1], [0], [0], [1], [0, 0, 1, 1], [], []>, transpose_lhs_hint = false} : vector<64x128xf32>, vector<128x128xf32>, vector<64x128xf32> -> vector<64x128xf32>
    %add3A_339 = arith.addf %add3A_318, %dot_general3A_338 : vector<64x128xf32>
    %get3A_340 = arith.constant 9 : index
    %get3A_341 = arith.constant 0 : index
    %get3A_342 = arith.constant 0 : index
    %get3A_343 = vector.load %arg3[%get3A_340, %get3A_341, %get3A_342] : memref<10x64x128xf32, #tpu.memory_space<vmem>>, vector<1x64x128xf32>
    %get3A_344 = vector.shape_cast %get3A_343 : vector<1x64x128xf32> to vector<64x128xf32>
    %get3A_345 = arith.constant 14 : index
    %get3A_346 = arith.constant 0 : index
    %get3A_347 = arith.constant 0 : index
    %get3A_348 = vector.load %arg6[%get3A_345, %get3A_346, %get3A_347] : memref<25x128x128xf32, #tpu.memory_space<vmem>>, vector<1x128x128xf32>
    %get3A_349 = vector.shape_cast %get3A_348 : vector<1x128x128xf32> to vector<128x128xf32>
    %dot_general3A_350 = arith.constant dense<0.000000e+00> : vector<64x128xf32>
    %dot_general3A_351 = tpu.matmul %get3A_344, %get3A_349, %dot_general3A_350 {dimension_numbers = #tpu.dot_dimension_numbers<[1], [0], [0], [1], [0, 0, 1, 1], [], []>, transpose_lhs_hint = false} : vector<64x128xf32>, vector<128x128xf32>, vector<64x128xf32> -> vector<64x128xf32>
    %add3A_352 = arith.addf %add3A_331, %dot_general3A_351 : vector<64x128xf32>
    %get3A_353 = arith.constant 24 : index
    %get3A_354 = arith.constant 0 : index
    %get3A_355 = arith.constant 0 : index
    %get3A_356 = vector.load %arg6[%get3A_353, %get3A_354, %get3A_355] : memref<25x128x128xf32, #tpu.memory_space<vmem>>, vector<1x128x128xf32>
    %get3A_357 = vector.shape_cast %get3A_356 : vector<1x128x128xf32> to vector<128x128xf32>
    %dot_general3A_358 = arith.constant dense<0.000000e+00> : vector<64x128xf32>
    %dot_general3A_359 = tpu.matmul %get3A_344, %get3A_357, %dot_general3A_358 {dimension_numbers = #tpu.dot_dimension_numbers<[1], [0], [0], [1], [0, 0, 1, 1], [], []>, transpose_lhs_hint = false} : vector<64x128xf32>, vector<128x128xf32>, vector<64x128xf32> -> vector<64x128xf32>
    %add3A_360 = arith.addf %add3A_339, %dot_general3A_359 : vector<64x128xf32>
    %tanh3A = math.tanh %add3A_352 : vector<64x128xf32>
    %tanh3A_361 = math.tanh %add3A_360 : vector<64x128xf32>
    %mul3A_362 = arith.mulf %tanh3A, %tanh3A_361 : vector<64x128xf32>
    %get3A_363 = arith.constant 0 : index
    %get3A_364 = arith.constant 0 : index
    %get3A_365 = arith.constant 0 : index
    %get3A_366 = vector.load %arg5[%get3A_363, %get3A_364, %get3A_365] : memref<4x256x64xf32, #tpu.memory_space<vmem>>, vector<1x256x64xf32>
    %get3A_367 = vector.shape_cast %get3A_366 : vector<1x256x64xf32> to vector<256x64xf32>
    %slice3A_368 = vector.extract_strided_slice %mul3A_362 {offsets = [0, 0], sizes = [64, 32], strides = [1, 1]} : vector<64x128xf32> to vector<64x32xf32>
    %dot_general3A_369 = arith.constant dense<0.000000e+00> : vector<256x32xf32>
    %dot_general3A_370 = tpu.matmul %get3A_367, %slice3A_368, %dot_general3A_369 {dimension_numbers = #tpu.dot_dimension_numbers<[1], [0], [0], [1], [0, 0, 1, 1], [], []>, transpose_lhs_hint = false} : vector<256x64xf32>, vector<64x32xf32>, vector<256x32xf32> -> vector<256x32xf32>
    %get3A_371 = arith.constant 1 : index
    %get3A_372 = arith.constant 0 : index
    %get3A_373 = arith.constant 0 : index
    %get3A_374 = vector.load %arg5[%get3A_371, %get3A_372, %get3A_373] : memref<4x256x64xf32, #tpu.memory_space<vmem>>, vector<1x256x64xf32>
    %get3A_375 = vector.shape_cast %get3A_374 : vector<1x256x64xf32> to vector<256x64xf32>
    %slice3A_376 = vector.extract_strided_slice %mul3A_362 {offsets = [0, 32], sizes = [64, 32], strides = [1, 1]} : vector<64x128xf32> to vector<64x32xf32>
    %dot_general3A_377 = arith.constant dense<0.000000e+00> : vector<256x32xf32>
    %dot_general3A_378 = tpu.matmul %get3A_375, %slice3A_376, %dot_general3A_377 {dimension_numbers = #tpu.dot_dimension_numbers<[1], [0], [0], [1], [0, 0, 1, 1], [], []>, transpose_lhs_hint = false} : vector<256x64xf32>, vector<64x32xf32>, vector<256x32xf32> -> vector<256x32xf32>
    %add3A_379 = arith.addf %dot_general3A_370, %dot_general3A_378 : vector<256x32xf32>
    %get3A_380 = arith.constant 2 : index
    %get3A_381 = arith.constant 0 : index
    %get3A_382 = arith.constant 0 : index
    %get3A_383 = vector.load %arg5[%get3A_380, %get3A_381, %get3A_382] : memref<4x256x64xf32, #tpu.memory_space<vmem>>, vector<1x256x64xf32>
    %get3A_384 = vector.shape_cast %get3A_383 : vector<1x256x64xf32> to vector<256x64xf32>
    %slice3A_385 = vector.extract_strided_slice %mul3A_362 {offsets = [0, 64], sizes = [64, 32], strides = [1, 1]} : vector<64x128xf32> to vector<64x32xf32>
    %dot_general3A_386 = arith.constant dense<0.000000e+00> : vector<256x32xf32>
    %dot_general3A_387 = tpu.matmul %get3A_384, %slice3A_385, %dot_general3A_386 {dimension_numbers = #tpu.dot_dimension_numbers<[1], [0], [0], [1], [0, 0, 1, 1], [], []>, transpose_lhs_hint = false} : vector<256x64xf32>, vector<64x32xf32>, vector<256x32xf32> -> vector<256x32xf32>
    %add3A_388 = arith.addf %add3A_379, %dot_general3A_387 : vector<256x32xf32>
    %get3A_389 = arith.constant 3 : index
    %get3A_390 = arith.constant 0 : index
    %get3A_391 = arith.constant 0 : index
    %get3A_392 = vector.load %arg5[%get3A_389, %get3A_390, %get3A_391] : memref<4x256x64xf32, #tpu.memory_space<vmem>>, vector<1x256x64xf32>
    %get3A_393 = vector.shape_cast %get3A_392 : vector<1x256x64xf32> to vector<256x64xf32>
    %slice3A_394 = vector.extract_strided_slice %mul3A_362 {offsets = [0, 96], sizes = [64, 32], strides = [1, 1]} : vector<64x128xf32> to vector<64x32xf32>
    %dot_general3A_395 = arith.constant dense<0.000000e+00> : vector<256x32xf32>
    %dot_general3A_396 = tpu.matmul %get3A_393, %slice3A_394, %dot_general3A_395 {dimension_numbers = #tpu.dot_dimension_numbers<[1], [0], [0], [1], [0, 0, 1, 1], [], []>, transpose_lhs_hint = false} : vector<256x64xf32>, vector<64x32xf32>, vector<256x32xf32> -> vector<256x32xf32>
    %add3A_397 = arith.addf %add3A_388, %dot_general3A_396 : vector<256x32xf32>
    %get3A_398 = arith.constant 0 : index
    %get3A_399 = arith.constant 0 : index
    %get3A_400 = vector.load %arg4[%get3A_398, %get3A_399] : memref<128x32xf32, #tpu.memory_space<vmem>>, vector<128x32xf32>
    %dot_general3A_401 = arith.constant dense<0.000000e+00> : vector<256x128xf32>
    %dot_general3A_402 = tpu.matmul %add3A_397, %get3A_400, %dot_general3A_401 {dimension_numbers = #tpu.dot_dimension_numbers<[1], [1], [0], [0], [0, 0, 1, 0], [], []>, transpose_lhs_hint = false} : vector<256x32xf32>, vector<128x32xf32>, vector<256x128xf32> -> vector<256x128xf32>
    %slice3A_403 = vector.extract_strided_slice %dot_general3A_402 {offsets = [0, 0], sizes = [256, 100], strides = [1, 1]} : vector<256x128xf32> to vector<256x100xf32>
    %reduce_max3A = arith.constant dense<0xFF800000> : vector<256xf32>
    %reduce_max3A_404 = vector.multi_reduction <maximumf>, %slice3A_403, %reduce_max3A [1] : vector<256x100xf32> to vector<256xf32>
    %broadcast_in_dim3A_405 = vector.shape_cast %reduce_max3A_404 : vector<256xf32> to vector<256x1xf32>
    %sub3A_406 = vector.broadcast %broadcast_in_dim3A_405 : vector<256x1xf32> to vector<256x100xf32>
    %sub3A_407 = arith.subf %slice3A_403, %sub3A_406 : vector<256x100xf32>
    %exp3A = math.exp %sub3A_407 : vector<256x100xf32>
    %reduce_sum3A_408 = arith.constant dense<0.000000e+00> : vector<256xf32>
    %reduce_sum3A_409 = vector.multi_reduction <add>, %exp3A, %reduce_sum3A_408 [1] : vector<256x100xf32> to vector<256xf32>
    %broadcast_in_dim3A_410 = vector.shape_cast %reduce_sum3A_409 : vector<256xf32> to vector<256x1xf32>
    %div3A_411 = vector.broadcast %broadcast_in_dim3A_410 : vector<256x1xf32> to vector<256x100xf32>
    %div3A_412 = arith.divf %exp3A, %div3A_411 : vector<256x100xf32>
    %swap3A = arith.constant 0 : index
    %swap3A_413 = arith.constant 0 : index
    %swap3A_414 = vector.load %arg9[%swap3A, %swap3A_413] : memref<256x100xf32, #tpu.memory_space<vmem>>, vector<256x100xf32>
    tpu.vector_store %arg9[%swap3A, %swap3A_413], %div3A_412 {strides = array<i32>} : memref<256x100xf32, #tpu.memory_space<vmem>>, vector<256x100xf32>,
    return
  }
  func.func @transform_0(%arg0: i32) -> (i32, i32, i32) {
    %c0_i32 = arith.constant 0 : i32
    %c0_i32_0 = arith.constant 0 : i32
    %c0_i32_1 = arith.constant 0 : i32
    return %c0_i32, %arg0, %c0_i32_0 : i32, i32, i32
  }
  func.func @transform_1(%arg0: i32) -> (i32, i32) {
    %c0_i32 = arith.constant 0 : i32
    %c0_i32_0 = arith.constant 0 : i32
    return %arg0, %c0_i32 : i32, i32
  }
  func.func @transform_2(%arg0: i32) -> (i32, i32, i32) {
    %c0_i32 = arith.constant 0 : i32
    %c0_i32_0 = arith.constant 0 : i32
    %c0_i32_1 = arith.constant 0 : i32
    return %c0_i32, %arg0, %c0_i32_0 : i32, i32, i32
  }
  func.func @transform_3(%arg0: i32) -> (i32, i32) {
    %c0_i32 = arith.constant 0 : i32
    %c0_i32_0 = arith.constant 0 : i32
    %c0_i32_1 = arith.constant 0 : i32
    return %c0_i32, %c0_i32_0 : i32, i32
  }
  func.func @transform_4(%arg0: i32) -> (i32, i32, i32) {
    %c0_i32 = arith.constant 0 : i32
    %c0_i32_0 = arith.constant 0 : i32
    %c0_i32_1 = arith.constant 0 : i32
    %c0_i32_2 = arith.constant 0 : i32
    return %c0_i32, %c0_i32_0, %c0_i32_1 : i32, i32, i32
  }
  func.func @transform_5(%arg0: i32) -> (i32, i32, i32) {
    %c0_i32 = arith.constant 0 : i32
    %c0_i32_0 = arith.constant 0 : i32
    %c0_i32_1 = arith.constant 0 : i32
    %c0_i32_2 = arith.constant 0 : i32
    return %c0_i32, %c0_i32_0, %c0_i32_1 : i32, i32, i32
  }
  func.func @transform_6(%arg0: i32) -> (i32, i32, i32) {
    %c0_i32 = arith.constant 0 : i32
    %c0_i32_0 = arith.constant 0 : i32
    %c0_i32_1 = arith.constant 0 : i32
    %c0_i32_2 = arith.constant 0 : i32
    return %c0_i32, %c0_i32_0, %c0_i32_1 : i32, i32, i32
  }
  func.func @transform_7(%arg0: i32) -> (i32, i32) {
    %c0_i32 = arith.constant 0 : i32
    %c0_i32_0 = arith.constant 0 : i32
    %c0_i32_1 = arith.constant 0 : i32
    return %c0_i32, %c0_i32_0 : i32, i32
  }
  func.func @transform_8(%arg0: i32) -> (i32, i32) {
    %c0_i32 = arith.constant 0 : i32
    %c0_i32_0 = arith.constant 0 : i32
    return %arg0, %c0_i32 : i32, i32
  }
}

</mosaic_0001>

<sc_bundles>
// kernel: kernel.6.cloned.1.call-start
scs
__scs_entry_jumppad:
0x0: {  	(pc) =	sbr.rel $0x88, $3  }
0x1: {  	(tag) =	ssettag $0x0;
	lr =	simm.s32 $0x1  }
0x2: {  	[smem:$0x3F92] =	sst lr;
	_ =	strace $0xD0000000  }
0x3: {  	_ = 	snop  }
0x4: {  	_ = 	snop  }
0x5: {  	_ = 	snop  }
0x6: {  	_ = 	snop  }
0x7: {  	_ = 	snop  }
__scs_overlays_trampoline_lowered:
0x8: {  	[smem:$0x3FA1] =	sst s0  }
0x9: {  	[smem:$0x3FA2] =	sst s1  }
0xa: {  	[smem:$0x3FA3] =	sst s2  }
0xb: {  	[smem:$0x3FA4] =	sst s3  }
0xc: {  	[smem:$0x3FA5] =	sst s4  }
0xd: {  	[smem:$0x3FA6] =	sst s5  }
0xe: {  	[smem:$0x3FA7] =	sst s6  }
0xf: {  	[smem:$0x3FA8] =	sst s7  }
0x10: {  	[smem:$0x3FA9] =	sst s8  }
0x11: {  	[smem:$0x3FAA] =	sst s9;
	s0 =	simm.s32 @!p0 $0x0  }
0x12: {  	s1 =	sld [smem:$0x3F90];
	s0 =	simm.s32 @p0 $0x1  }
0x13: {  	[smem:$0x3FAB] =	sst s0;
	s0 =	simm.s32 @!p1 $0x0  }
0x14: {  	s2 =	sld [smem:$0x3F8F];
	s0 =	simm.s32 @p1 $0x1  }
0x15: {  	[smem:$0x3FAC] =	sst s0;
	s0 =	simm.s32 @!p2 $0x0  }
0x16: {  	s3 =	sld [smem:$0x3FDB];
	s0 =	simm.s32 @p2 $0x1  }
0x17: {  	s4 =	simm.s32 $0x1BF5;
	[smem:$0x3FAE] =	sst s0  }
0x18: {  	s0 =	sld [smem:$0x3F91];
	_ =	swait.ge [sflag:s4], $0x0  }
0x19: {  	s7 =	sld [smem:$0x3F92]  }
0x1a: {  	s8 =	sadd.s32 $0xFFFFE003, lr  }
0x1b: {  	s9 =	sadd.s32 $0xFFFFFEF7, lr;
	s5 =	simm.s32 $0xFFFFFFFF;
	p2 =	slt.u32 s8, $0xFFFFF086  }
0x1c: {  	p1 =	slt.u32 s9, $0xF7A;
	s5 =	simm.s32 @!p2 $0x0  }
0x1d: {  	s5 =	simm.s32 @p1 $0x1;
	p0 =	seq.s32 s7, s2  }
0x1e: {  	s7 =	smul.u32 @!p0 $0xF7A, s2;
	p2 =	seq.s32 @!p0 s5, $0x0  }
0x1f: {  	s9 =	smul.u32 $0xF7A, s1;
	s8 =	simm.s32 @!p0 $0x1BF5;
	p2 =	por !p2, p0  }
0x20: {  	[sflag:s8] =	ssyncset.s32 @!p0 $0xFFFFF086;
	s6 =	sadd.s32 @!p0 s3, s7;
	s7 =	simm.s32 @!p0 $0x108  }
0x21: {  	s3 =	sadd.s32 s3, s9;
	s6 =	sadd.s32 @!p0 $0x88, s6;
	s7 =	simm.s32 @p2 $0x1082  }
0x22: {  	[simem:s7], [sflag:s8] =	dma.local @!p0 [hbm:s6], $0xF7A  }
0x23: {  	s9 =	sor.u32 $0xD0000000, s2;
	s6 =	simm.s32 $0x108;
	_ =	swait.ge @!p0 [sflag:s8], $0x0  }
0x24: {  	s3 =	sadd.s32 $0x88, s3;
	s6 =	simm.s32 @!p1 $0x1082;
	[sflag:s4] =	ssyncset.s32 $0xFFFFF086  }
0x25: {  	[simem:s6], [sflag:s4] =	dma.local [hbm:s3], $0xF7A  }
0x26: {  	[smem:$0x3F92] =	sst s1;
	(tag) =	ssettag s2;
	_ =	strace s9  }
0x27: {  	s1 =	sld [smem:$0x3FA2]  }
0x28: {  	s2 =	sld [smem:$0x3FA3]  }
0x29: {  	s4 =	sld [smem:$0x3FA5]  }
0x2a: {  	p0 =	seq.s32 s5, $0x0;
	s5 =	sld [smem:$0x3FA6]  }
0x2b: {  	s6 =	sld [smem:$0x3FA7]  }
0x2c: {  	s7 =	sld [smem:$0x3FA8]  }
0x2d: {  	s3 =	simm.s32 $0x108;
	s8 =	sld [smem:$0x3FA9]  }
0x2e: {  	s3 =	simm.s32 @!p0 $0x1082;
	s9 =	sld [smem:$0x3FAA]  }
0x2f: {  	lr =	sadd.s32 s0, s3;
	s0 =	sld [smem:$0x3FA1]  }
0x30: {  	s3 =	sld [smem:$0x3FA4]  }
0x31: {  	[smem:$0x3FAD] =	sst s10  }
0x32: {  	s10 =	sld [smem:$0x3FAB];
	_ =	sdelay $0x3  }
0x33: {  	p0 =	seq.s32 s10, $0x1;
	s10 =	sld [smem:$0x3FAD];
	_ =	sdelay $0x3  }
0x34: {  	[smem:$0x3FAD] =	sst s10  }
0x35: {  	s10 =	sld [smem:$0x3FAC];
	_ =	sdelay $0x3  }
0x36: {  	p1 =	seq.s32 s10, $0x1;
	s10 =	sld [smem:$0x3FAD];
	_ =	sdelay $0x3  }
0x37: {  	[smem:$0x3FAD] =	sst s10  }
0x38: {  	s10 =	sld [smem:$0x3FAE]  }
0x39: {  	_ = 	snop;
	(pc) =	sbr.ind lr, $3  }
0x3a: {  	_ = 	snop  }
0x3b: {  	_ = 	snop  }
0x3c: {  	p2 =	seq.s32 s10, $0x1;
	s10 =	sld [smem:$0x3FAD]  }
0x3d: {  	_ =	shalt  }
0x3e: {  	_ =	shalt  }
0x3f: {  	_ =	shalt  }
0x40: {  	_ =	shalt  }
0x41: {  	_ =	shalt  }
0x42: {  	_ =	shalt  }
0x43: {  	_ =	shalt  }
0x44: {  	_ =	shalt  }
0x45: {  	_ =	shalt  }
0x46: {  	_ =	shalt  }
0x47: {  	_ =	shalt  }
0x48: {  	_ =	shalt  }
0x49: {  	_ =	shalt  }
0x4a: {  	_ =	shalt  }
0x4b: {  	_ =	shalt  }
0x4c: {  	_ =	shalt  }
0x4d: {  	_ =	shalt  }
0x4e: {  	_ =	shalt  }
0x4f: {  	_ =	shalt  }
0x50: {  	_ =	shalt  }
0x51: {  	_ =	shalt  }
0x52: {  	_ =	shalt  }
0x53: {  	_ =	shalt  }
0x54: {  	_ =	shalt  }
0x55: {  	_ =	shalt  }
0x56: {  	_ =	shalt  }
0x57: {  	_ =	shalt  }
0x58: {  	_ =	shalt  }
0x59: {  	_ =	shalt  }
0x5a: {  	_ =	shalt  }
0x5b: {  	_ =	shalt  }
0x5c: {  	_ =	shalt  }
0x5d: {  	_ =	shalt  }
0x5e: {  	_ =	shalt  }
0x5f: {  	_ =	shalt  }
0x60: {  	_ =	shalt  }
0x61: {  	_ =	shalt  }
0x62: {  	_ =	shalt  }
0x63: {  	_ =	shalt  }
0x64: {  	_ =	shalt  }
0x65: {  	_ =	shalt  }
0x66: {  	_ =	shalt  }
0x67: {  	_ =	shalt  }
0x68: {  	_ =	shalt  }
0x69: {  	_ =	shalt  }
0x6a: {  	_ =	shalt  }
0x6b: {  	_ =	shalt  }
0x6c: {  	_ =	shalt  }
0x6d: {  	_ =	shalt  }
0x6e: {  	_ =	shalt  }
0x6f: {  	_ =	shalt  }
0x70: {  	_ =	shalt  }
0x71: {  	_ =	shalt  }
0x72: {  	_ =	shalt  }
0x73: {  	_ =	shalt  }
0x74: {  	_ =	shalt  }
0x75: {  	_ =	shalt  }
0x76: {  	_ =	shalt  }
0x77: {  	_ =	shalt  }
0x78: {  	_ =	shalt  }
0x79: {  	_ =	shalt  }
0x7a: {  	_ =	shalt  }
0x7b: {  	_ =	shalt  }
0x7c: {  	_ =	shalt  }
0x7d: {  	_ =	shalt  }
0x7e: {  	_ =	shalt  }
0x7f: {  	_ =	shalt  }
0x80: {  	_ =	shalt  }
0x81: {  	_ =	shalt  }
0x82: {  	_ =	shalt  }
0x83: {  	_ =	shalt  }
0x84: {  	_ =	shalt  }
0x85: {  	_ =	shalt  }
0x86: {  	_ =	shalt  }
0x87: {  	_ =	shalt  }
.Lfunc_end0:
.L_simem_size_0:
called_computation_lowered:
.L_overlay_start_0:
0x88: {  	s2 =	sld [smem:$0x3FD9]  }
0x89: {  	s3 =	sld [smem:$0x3FFE];
	_ =	sdelay $0x1  }
0x8a: {  	s1 =	srdreg.scid  }
0x8b: {  	s0 =	sand.u32 $0x1, s1  }
0x8c: {  	s17 =	sshll.u32 s0, $0xA;
	s2 =	sadd.s32 s3, s2  }
0x8d: {  	s2 =	sadd.s32 s2, s17  }
0x8e: {  	[smem:$0x3FB9] =	sst s2  }
0x8f: {  	_ = 	snop  }
0x90: {  	s2 =	sld [smem:$0x3FD0];
	(tm) =	ssettm $0x1  }
0x91: {  	s18 =	sld [smem:$0x3FFB];
	_ =	sdelay $0x3  }
0x92: {  	_ =	strace s18  }
0x93: {  	s3 =	sld [smem:$0x3FFC];
	_ =	sdelay $0x3  }
0x94: {  	_ =	strace s3  }
0x95: {  	s3 =	sld [smem:$0x3FFD];
	_ =	sdelay $0x3  }
0x96: {  	_ =	strace s3  }
0x97: {  	_ =	strace $0x8FFFFFFF  }
0x98: {  	s19 =	sld [smem:$0x3FDB];
	_ =	sdelay $0x1  }
0x99: {  	s4 =	simm.s32 $_scs_section_size  }
0x9a: {  	s5 =	simm.s32 $_size__tile_overlayer_lowered;
	s6 =	simm.s32 $_tile_overlayer_lowered  }
0x9b: {  	s22 =	simm.s32 $0x1BFF;
	s21 =	sshll.u32 s6, $0x1;
	s3 =	sadd.s32 s4, s19  }
0x9c: {  	s7 =	simm.s32 $0x0;
	s20 =	sshll.u32 s5, $0x1;
	s5 =	sadd.s32 s21, s3  }
0x9d: {  	[timem:s7], [sflag:s22] =	dma.local [hbm:s5], s20  }
0x9e: {  	_ =	swait.ge [sflag:s22], s20  }
0x9f: {  	s4 =	ssub.s32 $0x0, s20;
	[sflag:s22] =	ssyncset.done $0x0  }
0xa0: {  	[sflag:s22] =	ssyncadd.s32 s4;
	_ =	sdelay $0x1  }
0xa1: {  	s23 =	simm.s32 $0x1B8B  }
0xa2: {  	_ =	swait.ge [sflag:s23], $0x1  }
0xa3: {  	[sflag:s23] =	ssyncset.done $0x0  }
0xa4: {  	s25 =	simm.s32 $0x1B8E;
	s24 =	sld [smem:$0x3FFE];
	[sflag:s23] =	ssyncadd.s32 $0xFFFFFFFF  }
0xa5: {  	s26 =	simm.s32 $execute0_lowered;
	[smem:$0x3FD2] =	sst s25  }
0xa6: {  	s5 =	sshll.u32 s26, $0x1;
	_ =	strace $0x80000046;
	[dreg:$0x1] =	wrdreg $0xFFFFFFFF  }
0xa7: {  	s28 =	simm.s32 $_size_execute0_lowered;
	s3 =	sadd.s32 s3, s5;
	[dreg:$0x0] =	wrdreg $0x0  }
0xa8: {  	s5 =	sshll.u32 s28, $0x1;
	[dreg:$0x2] =	wrdreg s3  }
0xa9: {  	[dreg:$0x3] =	wrdreg s5  }
0xaa: {  	[dreg:$0x4] =	wrdreg $0xC0  }
0xab: {  	_ =	task [dreg:s7], $0x5FFFF  }
0xac: {  	[dreg:$0x1] =	wrdreg $0xFFFFFFFF  }
0xad: {  	[dreg:$0x0] =	wrdreg $0x60  }
0xae: {  	[dreg:$0x2] =	wrdreg s2  }
0xaf: {  	[dreg:$0x3] =	wrdreg s24  }
0xb0: {  	[dreg:$0x4] =	wrdreg $0x9  }
0xb1: {  	_ =	task.clear_ibuf [dreg:s7], $0x5FFFF;
	_ =	strace $0x90000046  }
0xb2: {  	s29 =	simm.s32 $0x9;
	_ =	strace $0x80000048  }
0xb3: {  	_ =	swait.ge [sflag:s29], $0x1  }
0xb4: {  	[sflag:s29] =	ssyncadd.s32 $0xFFFFFFFF  }
0xb5: {  	_ =	strace $0x90000048  }
0xb6: {  	_ =	sfence  }
0xb7: {  	s30 =	sld [smem:$0x0];
	_ =	sdelay $0x2  }
0xb8: {  	s31 =	sshll.u32 s1, $0xD;
	s1 =	sshrl.u32 s1, $0x2  }
0xb9: {  	s3 =	sand.u32 $0x4000, s31;
	s1 =	sadd.s32 s1, s30  }
0xba: {  	s0 =	sor.u32 s3, s0;
	s1 =	sshll.u32 s1, $0x11  }
0xbb: {  	s0 =	sor.u32 s1, s0  }
0xbc: {  	s0 =	sadd.s32 $0x8F2B, s0  }
0xbd: {  	[sflag:s0] =	ssyncadd.remote.s32 $0x1  }
0xbe: {  	_ =	sfence.sel $0xFFFF  }
0xbf: {  	[dreg:$0x0] =	wrdreg $0xFFFFFFFF;
	(pc) =	sbr.abs _section_cstart, $3  }
0xc0: {  	[dreg:$0x1] =	wrdreg $0xFFFFFFFF  }
0xc1: {  	_ =	task.clear_ibuf [dreg:s7], $0x2FFFF;
	_ =	strace $0x9FFFFFFF  }
0xc2: {  	(tm) =	ssettm $0x7FFFFFFF  }
0xc3: {  	_ =	shalt  }
tec
execute0_lowered:
.L_overlay_start_1:
0x0: {  	(tag) =	ssettag $0x1  }
0x1: {  	s1 =	srdreg.scid;
	s0 =	stileid.u32  }
0x2: {  	s25 =	sand.u32 $0x1, s1;
	s24 =	sshll.u32 s0, $0x1  }
0x3: {  	s22 =	sor.u32 s25, s24  }
0x4: {  	s13 =	rddreg [dreg:$0x0];
	s14 =	smul.u32 $0x1900, s22  }
0x5: {  	s29 =	rddreg [dreg:$0x1];
	s2 =	simm.s32 $0x0  }
0x6: {  	s4 =	simm.s32 $0x2;
	[smem:$0x7FF] =	sst s2;
	s3 =	sshrl.u32 s14, $0x3  }
0x7: {  	s1 =	rddreg [dreg:$0x2];
	_ =	strace $0x80000047;
	s3 =	sadd.s32 s13, s3  }
0x8: {  	[tilespmem:s2], [sflag:$0x2] =	stream.linear.gather [hbm4b:s3+s2], $0x640, $0x38;
	[tilespmem:$0x183C0] =	vst v63  }
0x9: {  	_ =	swait.ge [sflag:s4], $0x640  }
0xa: {  	s6 =	simm.s32 $0x640;
	[sflag:s4] =	ssyncset.done $0x0  }
0xb: {  	s7 =	simm.s32 $0x1;
	s5 =	sadd.s32 $0x4400, s29;
	[sflag:s4] =	ssyncadd.s32 $0xFFFFF9C0  }
0xc: {  	[tilespmem:s6], [sflag:$0x1] =	stream.indirect.gather [hbm4b:s5+s6], $0x20, s2, s6, $0xb8;
	[tilespmem:$0x183C0] =	vst v63  }
0xd: {  	s8 =	smul.u32 $0x6400, s22;
	_ =	swait.ge [sflag:s7], $0xC800  }
0xe: {  	s15 =	sadd.s32 $0x92C600, s29;
	[sflag:s7] =	ssyncset.done $0x0  }
0xf: {  	s8 =	sadd.s32 s15, s8;
	[sflag:s7] =	ssyncadd.s32 $0xFFFF3800  }
0x10: {  	[hbm4b:s8+s2] =	stream.linear.scatter [tilespmem:s6], [sflag:$0x2], $0xC800, $0x38;
	[tilespmem:$0x183C0] =	vst v63  }
0x11: {  	s10 =	sadd.s32 $0x640, s14;
	_ =	swait.ge [sflag:s4], $0xC800  }
0x12: {  	s9 =	sshrl.u32 s10, $0x3;
	[sflag:s4] =	ssyncset.done $0x0  }
0x13: {  	s9 =	sadd.s32 s13, s9;
	[sflag:s4] =	ssyncadd.s32 $0xFFFF3800  }
0x14: {  	[tilespmem:s2], [sflag:$0x2] =	stream.linear.gather [hbm4b:s9+s2], $0x640, $0x38;
	[tilespmem:$0x183C0] =	vst v63  }
0x15: {  	_ =	swait.ge [sflag:s4], $0x640  }
0x16: {  	[sflag:s4] =	ssyncset.done $0x0  }
0x17: {  	[sflag:s4] =	ssyncadd.s32 $0xFFFFF9C0  }
0x18: {  	[tilespmem:s6], [sflag:$0x1] =	stream.indirect.gather [hbm4b:s5+s6], $0x20, s2, s6, $0xb8;
	[tilespmem:$0x183C0] =	vst v63  }
0x19: {  	_ =	swait.ge [sflag:s7], $0xC800  }
0x1a: {  	s10 =	sshll.u32 s10, $0x2;
	[sflag:s7] =	ssyncset.done $0x0  }
0x1b: {  	s10 =	sadd.s32 s15, s10;
	[sflag:s7] =	ssyncadd.s32 $0xFFFF3800  }
0x1c: {  	[hbm4b:s10+s2] =	stream.linear.scatter [tilespmem:s6], [sflag:$0x2], $0xC800, $0x38;
	[tilespmem:$0x183C0] =	vst v63  }
0x1d: {  	s12 =	sadd.s32 $0xC80, s14;
	_ =	swait.ge [sflag:s4], $0xC800  }
0x1e: {  	s11 =	sshrl.u32 s12, $0x3;
	[sflag:s4] =	ssyncset.done $0x0  }
0x1f: {  	s11 =	sadd.s32 s13, s11;
	[sflag:s4] =	ssyncadd.s32 $0xFFFF3800  }
0x20: {  	[tilespmem:s2], [sflag:$0x2] =	stream.linear.gather [hbm4b:s11+s2], $0x640, $0x38;
	[tilespmem:$0x183C0] =	vst v63  }
0x21: {  	_ =	swait.ge [sflag:s4], $0x640  }
0x22: {  	[sflag:s4] =	ssyncset.done $0x0  }
0x23: {  	[sflag:s4] =	ssyncadd.s32 $0xFFFFF9C0  }
0x24: {  	[tilespmem:s6], [sflag:$0x1] =	stream.indirect.gather [hbm4b:s5+s6], $0x20, s2, s6, $0xb8;
	[tilespmem:$0x183C0] =	vst v63  }
0x25: {  	_ =	swait.ge [sflag:s7], $0xC800  }
0x26: {  	s12 =	sshll.u32 s12, $0x2;
	[sflag:s7] =	ssyncset.done $0x0  }
0x27: {  	s12 =	sadd.s32 s15, s12;
	[sflag:s7] =	ssyncadd.s32 $0xFFFF3800  }
0x28: {  	[hbm4b:s12+s2] =	stream.linear.scatter [tilespmem:s6], [sflag:$0x2], $0xC800, $0x38;
	[tilespmem:$0x183C0] =	vst v63  }
0x29: {  	s14 =	sadd.s32 $0x12C0, s14;
	_ =	swait.ge [sflag:s4], $0xC800  }
0x2a: {  	s16 =	sshrl.u32 s14, $0x3;
	[sflag:s4] =	ssyncset.done $0x0  }
0x2b: {  	s13 =	sadd.s32 s13, s16;
	[sflag:s4] =	ssyncadd.s32 $0xFFFF3800  }
0x2c: {  	[tilespmem:s2], [sflag:$0x2] =	stream.linear.gather [hbm4b:s13+s2], $0x640, $0x38;
	[tilespmem:$0x183C0] =	vst v63  }
0x2d: {  	_ =	swait.ge [sflag:s4], $0x640  }
0x2e: {  	[sflag:s4] =	ssyncset.done $0x0  }
0x2f: {  	[sflag:s4] =	ssyncadd.s32 $0xFFFFF9C0  }
0x30: {  	[tilespmem:s6], [sflag:$0x1] =	stream.indirect.gather [hbm4b:s5+s6], $0x20, s2, s6, $0xb8;
	[tilespmem:$0x183C0] =	vst v63  }
0x31: {  	_ =	swait.ge [sflag:s7], $0xC800  }
0x32: {  	s14 =	sshll.u32 s14, $0x2;
	[sflag:s7] =	ssyncset.done $0x0  }
0x33: {  	s26 =	smul.u32 $0xA0, s22;
	s14 =	sadd.s32 s15, s14;
	[sflag:s7] =	ssyncadd.s32 $0xFFFF3800  }
0x34: {  	[hbm4b:s14+s2] =	stream.linear.scatter [tilespmem:s6], [sflag:$0x2], $0xC800, $0x38;
	[tilespmem:$0x183C0] =	vst v63  }
0x35: {  	_ =	swait.ge [sflag:s4], $0xC800  }
0x36: {  	s31 =	sadd.s32 s26, s29;
	[sflag:s4] =	ssyncset.done $0x0  }
0x37: {  	s15 =	sadd.s32 $0x2E00, s31;
	s16 =	simm.s32 $0xCE40;
	[sflag:s4] =	ssyncadd.s32 $0xFFFF3800  }
0x38: {  	[tilespmem:s16], [sflag:$0x2] =	stream.linear.gather [hbm4b:s15+s2], $0x500, $0x38;
	[tilespmem:$0x183C0] =	vst v63  }
0x39: {  	_ =	swait.ge [sflag:s4], $0x500  }
0x3a: {  	s18 =	simm.s32 $0x500;
	s19 =	simm.s32 $0xD340;
	[sflag:s4] =	ssyncset.done $0x0  }
0x3b: {  	s17 =	sadd.s32 $0x404400, s29;
	s20 =	smul.u32 $0x1400, s22;
	[sflag:s4] =	ssyncadd.s32 $0xFFFFFB00  }
0x3c: {  	[tilespmem:s19], [sflag:$0x1] =	stream.indirect.gather [hbm4b:s17+s18], $0x20, s16, s18, $0xb8;
	[tilespmem:$0x183C0] =	vst v63  }
0x3d: {  	_ =	swait.ge [sflag:s7], $0xA000  }
0x3e: {  	s20 =	sadd.s32 s20, s29;
	[sflag:s7] =	ssyncset.done $0x0  }
0x3f: {  	s21 =	sadd.s32 $0x4200, s29;
	s20 =	sadd.s32 $0x904600, s20;
	[sflag:s7] =	ssyncadd.s32 $0xFFFF6000  }
0x40: {  	[hbm4b:s20+s2] =	stream.linear.scatter [tilespmem:s19], [sflag:$0x2], $0xA000, $0x38;
	[tilespmem:$0x183C0] =	vst v63  }
0x41: {  	s30 =	ssub.s32 $0x2, s25;
	p0 =	sne.s32 s22, $0x0;
	_ =	swait.ge [sflag:s4], $0xA000  }
0x42: {  	s23 =	simm.s32 @!p0 $0x0;
	s24 =	simm.s32 @!p0 $0x17340;
	[sflag:s4] =	ssyncset.done $0x0  }
0x43: {  	s22 =	simm.s32 @!p0 $0x2;
	s31 =	sshrl.u32 s30, $0x1;
	[sflag:s4] =	ssyncadd.s32 $0xFFFF6000  }
0x44: {  	[tilespmem:s24], [sflag:$0x2] =	stream.linear.gather @!p0 [hbm4b:s21+s23], $0x80, $0x38;
	[tilespmem:$0x183C0] =	vst v63  }
0x45: {  	s25 =	simm.s32 @!p0 $0x80;
	s30 =	ssub.s32 s30, s31;
	_ =	swait.ge @!p0 [sflag:s22], $0x80  }
0x46: {  	s28 =	simm.s32 @!p0 $0x1;
	s30 =	smax.u32 s30, $0x1;
	[sflag:s22] =	ssyncset.done @!p0 $0x0  }
0x47: {  	s26 =	simm.s32 @!p0 $0x173C0;
	s30 =	sadd.s32 $0xFFFFFFFF, s30;
	[sflag:s22] =	ssyncadd.s32 @!p0 $0xFFFFFF80  }
0x48: {  	[tilespmem:s26], [sflag:$0x1] =	stream.indirect.gather @!p0 [hbm4b:s5+s25], $0x20, s24, s25, $0xb8;
	[tilespmem:$0x183C0] =	vst v63  }
0x49: {  	p1 =	sne.s32 s30, $0x0;
	_ =	swait.ge @!p0 [sflag:s28], $0x1000  }
.Ltmp0:
0x4a: {  	[sflag:s28] =	ssyncset.done @!p0 $0x0;
	(pc) =	sbr.rel @!p1 .LBB2_2-.Ltmp0, $4  }
0x4b: {  	s29 =	sadd.s32 $0x904400, s29;
	[sflag:s28] =	ssyncadd.s32 @!p0 $0xFFFFF000  }
0x4c: {  	[hbm4b:s29+s23] =	stream.linear.scatter @!p0 [tilespmem:s26], [sflag:$0x2], $0x1000, $0x38;
	[tilespmem:$0x183C0] =	vst v63  }
0x4d: {  	_ =	swait.ge @!p0 [sflag:s22], $0x1000  }
0x4e: {  	[sflag:s22] =	ssyncset.done @!p0 $0x0  }
.LBB2_1:
0x4f: {  	s30 =	sadd.s32 $0xFFFFFFFF, s30;
	[sflag:s22] =	ssyncadd.s32 @!p0 $0xFFFFF000  }
0x50: {  	[tilespmem:s2], [sflag:$0x2] =	stream.linear.gather [hbm4b:s3+s2], $0x640, $0x38;
	[tilespmem:$0x183C0] =	vst v63  }
0x51: {  	p1 =	sne.s32 s30, $0x0;
	_ =	swait.ge [sflag:s4], $0x640  }
0x52: {  	[sflag:s4] =	ssyncset.done $0x0  }
0x53: {  	[sflag:s4] =	ssyncadd.s32 $0xFFFFF9C0  }
0x54: {  	[tilespmem:s6], [sflag:$0x1] =	stream.indirect.gather [hbm4b:s5+s6], $0x20, s2, s6, $0xb8;
	[tilespmem:$0x183C0] =	vst v63  }
0x55: {  	_ =	swait.ge [sflag:s7], $0xC800  }
0x56: {  	[sflag:s7] =	ssyncset.done $0x0  }
0x57: {  	[sflag:s7] =	ssyncadd.s32 $0xFFFF3800  }
0x58: {  	[hbm4b:s8+s2] =	stream.linear.scatter [tilespmem:s6], [sflag:$0x2], $0xC800, $0x38;
	[tilespmem:$0x183C0] =	vst v63  }
0x59: {  	_ =	swait.ge [sflag:s4], $0xC800  }
0x5a: {  	[sflag:s4] =	ssyncset.done $0x0  }
0x5b: {  	[sflag:s4] =	ssyncadd.s32 $0xFFFF3800  }
0x5c: {  	[tilespmem:s2], [sflag:$0x2] =	stream.linear.gather [hbm4b:s9+s2], $0x640, $0x38;
	[tilespmem:$0x183C0] =	vst v63  }
0x5d: {  	_ =	swait.ge [sflag:s4], $0x640  }
0x5e: {  	[sflag:s4] =	ssyncset.done $0x0  }
0x5f: {  	[sflag:s4] =	ssyncadd.s32 $0xFFFFF9C0  }
0x60: {  	[tilespmem:s6], [sflag:$0x1] =	stream.indirect.gather [hbm4b:s5+s6], $0x20, s2, s6, $0xb8;
	[tilespmem:$0x183C0] =	vst v63  }
0x61: {  	_ =	swait.ge [sflag:s7], $0xC800  }
0x62: {  	[sflag:s7] =	ssyncset.done $0x0  }
0x63: {  	[sflag:s7] =	ssyncadd.s32 $0xFFFF3800  }
0x64: {  	[hbm4b:s10+s2] =	stream.linear.scatter [tilespmem:s6], [sflag:$0x2], $0xC800, $0x38;
	[tilespmem:$0x183C0] =	vst v63  }
0x65: {  	_ =	swait.ge [sflag:s4], $0xC800  }
0x66: {  	[sflag:s4] =	ssyncset.done $0x0  }
0x67: {  	[sflag:s4] =	ssyncadd.s32 $0xFFFF3800  }
0x68: {  	[tilespmem:s2], [sflag:$0x2] =	stream.linear.gather [hbm4b:s11+s2], $0x640, $0x38;
	[tilespmem:$0x183C0] =	vst v63  }
0x69: {  	_ =	swait.ge [sflag:s4], $0x640  }
0x6a: {  	[sflag:s4] =	ssyncset.done $0x0  }
0x6b: {  	[sflag:s4] =	ssyncadd.s32 $0xFFFFF9C0  }
0x6c: {  	[tilespmem:s6], [sflag:$0x1] =	stream.indirect.gather [hbm4b:s5+s6], $0x20, s2, s6, $0xb8;
	[tilespmem:$0x183C0] =	vst v63  }
0x6d: {  	_ =	swait.ge [sflag:s7], $0xC800  }
0x6e: {  	[sflag:s7] =	ssyncset.done $0x0  }
0x6f: {  	[sflag:s7] =	ssyncadd.s32 $0xFFFF3800  }
0x70: {  	[hbm4b:s12+s2] =	stream.linear.scatter [tilespmem:s6], [sflag:$0x2], $0xC800, $0x38;
	[tilespmem:$0x183C0] =	vst v63  }
0x71: {  	_ =	swait.ge [sflag:s4], $0xC800  }
0x72: {  	[sflag:s4] =	ssyncset.done $0x0  }
0x73: {  	[sflag:s4] =	ssyncadd.s32 $0xFFFF3800  }
0x74: {  	[tilespmem:s2], [sflag:$0x2] =	stream.linear.gather [hbm4b:s13+s2], $0x640, $0x38;
	[tilespmem:$0x183C0] =	vst v63  }
0x75: {  	_ =	swait.ge [sflag:s4], $0x640  }
0x76: {  	[sflag:s4] =	ssyncset.done $0x0  }
0x77: {  	[sflag:s4] =	ssyncadd.s32 $0xFFFFF9C0  }
0x78: {  	[tilespmem:s6], [sflag:$0x1] =	stream.indirect.gather [hbm4b:s5+s6], $0x20, s2, s6, $0xb8;
	[tilespmem:$0x183C0] =	vst v63  }
0x79: {  	_ =	swait.ge [sflag:s7], $0xC800  }
0x7a: {  	[sflag:s7] =	ssyncset.done $0x0  }
0x7b: {  	[sflag:s7] =	ssyncadd.s32 $0xFFFF3800  }
0x7c: {  	[hbm4b:s14+s2] =	stream.linear.scatter [tilespmem:s6], [sflag:$0x2], $0xC800, $0x38;
	[tilespmem:$0x183C0] =	vst v63  }
0x7d: {  	_ =	swait.ge [sflag:s4], $0xC800  }
0x7e: {  	[sflag:s4] =	ssyncset.done $0x0  }
0x7f: {  	[sflag:s4] =	ssyncadd.s32 $0xFFFF3800  }
0x80: {  	[tilespmem:s16], [sflag:$0x2] =	stream.linear.gather [hbm4b:s15+s2], $0x500, $0x38;
	[tilespmem:$0x183C0] =	vst v63  }
0x81: {  	_ =	swait.ge [sflag:s4], $0x500  }
0x82: {  	[sflag:s4] =	ssyncset.done $0x0  }
0x83: {  	[sflag:s4] =	ssyncadd.s32 $0xFFFFFB00  }
0x84: {  	[tilespmem:s19], [sflag:$0x1] =	stream.indirect.gather [hbm4b:s17+s18], $0x20, s16, s18, $0xb8;
	[tilespmem:$0x183C0] =	vst v63  }
0x85: {  	_ =	swait.ge [sflag:s7], $0xA000  }
0x86: {  	[sflag:s7] =	ssyncset.done $0x0  }
0x87: {  	[sflag:s7] =	ssyncadd.s32 $0xFFFF6000  }
0x88: {  	[hbm4b:s20+s2] =	stream.linear.scatter [tilespmem:s19], [sflag:$0x2], $0xA000, $0x38;
	[tilespmem:$0x183C0] =	vst v63  }
0x89: {  	_ =	swait.ge [sflag:s4], $0xA000  }
0x8a: {  	[sflag:s4] =	ssyncset.done $0x0  }
0x8b: {  	[sflag:s4] =	ssyncadd.s32 $0xFFFF6000  }
0x8c: {  	[tilespmem:s24], [sflag:$0x2] =	stream.linear.gather @!p0 [hbm4b:s21+s23], $0x80, $0x38;
	[tilespmem:$0x183C0] =	vst v63  }
0x8d: {  	_ =	swait.ge @!p0 [sflag:s22], $0x80  }
0x8e: {  	[sflag:s22] =	ssyncset.done @!p0 $0x0  }
0x8f: {  	[sflag:s22] =	ssyncadd.s32 @!p0 $0xFFFFFF80  }
0x90: {  	[tilespmem:s26], [sflag:$0x1] =	stream.indirect.gather @!p0 [hbm4b:s5+s25], $0x20, s24, s25, $0xb8;
	[tilespmem:$0x183C0] =	vst v63  }
0x91: {  	_ =	swait.ge @!p0 [sflag:s28], $0x1000  }
.Ltmp1:
0x92: {  	[sflag:s28] =	ssyncset.done @!p0 $0x0;
	(pc) =	sbr.rel @p1 .LBB2_1-.Ltmp1, $4  }
0x93: {  	[sflag:s28] =	ssyncadd.s32 @!p0 $0xFFFFF000  }
0x94: {  	[hbm4b:s29+s23] =	stream.linear.scatter @!p0 [tilespmem:s26], [sflag:$0x2], $0x1000, $0x38;
	[tilespmem:$0x183C0] =	vst v63  }
0x95: {  	_ =	swait.ge @!p0 [sflag:s22], $0x1000  }
0x96: {  	[sflag:s22] =	ssyncset.done @!p0 $0x0  }
.LBB2_2:
0x97: {  	[sflag:s22] =	ssyncadd.s32 @!p0 $0xFFFFF000  }
0x98: {  	_ =	sfence.sel $0x180000  }
0x99: {  	[bflag:$0x0] =	sbarrier.arrive $0xFFFF  }
0x9a: {  	p0 =	sne.s32 s0, $0x0;
	_ =	strace $0x90000047  }
0x9b: {  	s0 =	sadd.s32 @!p0 $0x100000, s1;
	[bflag:$0x2] =	sbarrier.arrive $0xFFFF  }
0x9c: {  	[sflag:s0] =	ssyncadd.tile.s32 @!p0 $0x1;
	_ =	shalt  }
.Lfunc_end2:
_tile_overlayer_lowered:
.L_overlay_start_2:
0x9d: {  	(tag) =	ssettag $0x2  }
0x9e: {  	s0 =	rddreg [dreg:$0x0];
	s2 =	stileid.u32  }
0x9f: {  	s1 =	rddreg [dreg:$0x1];
	p0 =	sne.s32 s2, $0x0  }
0xa0: {  	s3 =	rddreg [dreg:$0x2];
	[bflag:$0x3] =	sbarrier.arrive $0xFFFF;
	s2 =	simm.s32 @!p0 $0x1C02  }
0xa1: {  	[timem:s3], [sflag:s2] =	dma.local @!p0 [hbm:s0], s1  }
0xa2: {  	s0 =	simm.s32 @!p0 $0x2  }
0xa3: {  	_ =	swait.ge @!p0 [sflag:s0], s1  }
0xa4: {  	s1 =	ssub.s32 @!p0 $0x0, s1;
	[sflag:s0] =	ssyncset.done @!p0 $0x0  }
0xa5: {  	[sflag:s0] =	ssyncadd.s32 @!p0 s1  }
0xa6: {  	[bflag:$0x3] =	sbarrier.arrive $0xFFFF  }
0xa7: {  	_ =	shalt  }

</sc_bundles>
